<compile_context>
chip_gen: v7x
topology: tpu7x:2x2x1
jax: 0.10.2.dev20260603
libtpu: 0.0.44.dev20260713+nightly
codegen_flags: <defaults>
</compile_context>

<pallas_src>
import jax
import jax.numpy as jnp
from jax import lax
from jax.experimental import pallas as pl
from jax.experimental.pallas import tpu as pltpu
from jax.experimental.pallas import tpu_sc as plsc

BATCH = 16384
HIST = 200
D_MODEL = 32
NC = 2
NS = 16
NW = NC * NS
BH = BATCH * HIST
PER_W = BH // NW
CHUNK = 800
NCHUNK = PER_W // CHUNK
NBUF = 4
GLEAD = 2
NIB = 4


def _body(data_hbm, table_hbm, out_hbm, idx_v, rows_v, isem, gsem, wsem):
    wid = lax.axis_index("s") * NC + lax.axis_index("c")
    base = wid * PER_W

    def stage_idx(j, q):
        pltpu.async_copy(
            data_hbm.at[pl.ds(base + j * CHUNK, CHUNK)], idx_v.at[q],
            isem.at[q],
        )

    def stage_gather(j, q, b, guard_write):
        if guard_write:

            @pl.when(j >= NBUF)
            def _():
                pltpu.make_async_copy(
                    rows_v.at[b],
                    out_hbm.at[pl.ds(base + (j - NBUF) * CHUNK, CHUNK)],
                    wsem.at[b],
                ).wait()

        pltpu.make_async_copy(
            data_hbm.at[pl.ds(base + j * CHUNK, CHUNK)], idx_v.at[q],
            isem.at[q],
        ).wait()
        pltpu.async_copy(
            table_hbm.at[idx_v.at[q]], rows_v.at[b], gsem.at[b]
        )

    for q in range(NIB):
        stage_idx(q, q)
    for b in range(GLEAD):
        stage_gather(b, b, b, False)

    def group(g, carry):
        j0 = g * NIB
        for u in range(NIB):
            j = j0 + u
            b = u % NBUF
            q = u % NIB
            pltpu.make_async_copy(
                table_hbm.at[idx_v.at[q]], rows_v.at[b], gsem.at[b]
            ).wait()
            pltpu.async_copy(
                rows_v.at[b], out_hbm.at[pl.ds(base + j * CHUNK, CHUNK)],
                wsem.at[b],
            )
            ni = j + NIB

            @pl.when(ni < NCHUNK)
            def _():
                stage_idx(ni, q)

            ng = j + GLEAD

            @pl.when(ng < NCHUNK)
            def _():
                stage_gather(ng, (u + GLEAD) % NIB, (u + GLEAD) % NBUF, True)

        return carry

    lax.fori_loop(0, NCHUNK // NIB, group, 0)

    for u in range(NBUF):
        j = NCHUNK - NBUF + u
        pltpu.make_async_copy(
            rows_v.at[j % NBUF], out_hbm.at[pl.ds(base + j * CHUNK, CHUNK)],
            wsem.at[j % NBUF],
        ).wait()


def kernel(data, table):
    idx = data.reshape(BH).astype(jnp.int32)
    mesh = plsc.VectorSubcoreMesh(core_axis_name="c", subcore_axis_name="s")
    out = pl.kernel(
        _body,
        out_type=jax.ShapeDtypeStruct((BH, D_MODEL), jnp.float32),
        mesh=mesh,
        scratch_types=[
            pltpu.VMEM((NIB, CHUNK), jnp.int32),
            pltpu.VMEM((NBUF, CHUNK, D_MODEL), jnp.float32),
            pltpu.SemaphoreType.DMA((NIB,)),
            pltpu.SemaphoreType.DMA((NBUF,)),
            pltpu.SemaphoreType.DMA((NBUF,)),
        ],
        compiler_params=pltpu.CompilerParams(use_tc_tiling_on_sc=False),
    )(idx, table)
    return out.reshape(BATCH, HIST, D_MODEL)

# --- scband reference (transcript-rebuilt; emitter-appended) ---
"""Pipeline reference for scband-temporal-embedding-4715874091581 (READ-ONLY COPY).

The authoritative reference and input builder live on the scoring server;
editing this copy changes nothing except your own understanding.
"""

import jax, jax.numpy as jnp
import numpy as np

NUM_CLS = 1000000
D_MODEL = 32
BATCH = 16384
HIST = 200

def setup_inputs(seed: int = 0) -> dict:
    key = jax.random.key(seed)
    k_idx, k_tab = jax.random.split(key)
    data = jax.random.randint(k_idx, (BATCH, HIST), 0, NUM_CLS, dtype=jnp.int64)
    table = jax.random.normal(k_tab, (NUM_CLS, D_MODEL), dtype=jnp.float32) * 0.02
    return {"data": data, "table": table}

def reference(data, table):
    # Faithful translation of torch.nn.Embedding(num_cls, d_model)(data)
    # gather rows of the embedding table by integer index
    return jnp.take(table, data, axis=0)

if __name__ == "__main__":
    import jax
    _d = setup_inputs()
    print(jax.jit(kernel)(*tuple(_d.values())))

</pallas_src>

<mosaic_0001>
#map = affine_map<(d0, d1) -> (0)>
#map1 = affine_map<(d0, d1) -> (0, 0)>
module attributes {stable_mosaic.version = 14 : i64} {
  func.func @_body(%arg0: i32, %arg1: i32, %arg2: memref<3276800xi32, #tpu.memory_space<hbm>>, %arg3: memref<1000000x32xf32, #tpu.memory_space<hbm>>, %arg4: memref<3276800x32xf32, #tpu.memory_space<hbm>>, %arg5: memref<4x800xi32, #tpu.memory_space<vmem>>, %arg6: memref<4x800x32xf32, #tpu.memory_space<vmem>>, %arg7: memref<4x!tpu.dma_semaphore, #tpu.memory_space<semaphore_mem>>, %arg8: memref<4x!tpu.dma_semaphore, #tpu.memory_space<semaphore_mem>>, %arg9: memref<4x!tpu.dma_semaphore, #tpu.memory_space<semaphore_mem>>) attributes {dimension_semantics = [#tpu.dimension_semantics<core_parallel>, #tpu.dimension_semantics<subcore_parallel>], iteration_bounds = array<i64: 2, 16>, scalar_prefetch = 0 : i64, scratch_operands = 5 : i64, tpu.core_type = #tpu.core_type<sc_vector_subcore>, window_params = [{transform_indices = #map}, {transform_indices = #map1}, {transform_indices = #map1}]} {
    %mul3A = arith.constant 2 : i32
    %mul3A_0 = arith.muli %arg1, %mul3A : i32
    %add3A = arith.addi %mul3A_0, %arg0 : i32
    %mul3A_1 = arith.constant 102400 : i32
    %mul3A_2 = arith.muli %add3A, %mul3A_1 : i32
    %add3A_3 = arith.constant 0 : i32
    %add3A_4 = arith.addi %mul3A_2, %add3A_3 : i32
    %dma_start3A = arith.constant 0 : i32
    %dma_start3A_5 = arith.constant 0 : i32
    %dma_start3A_6 = arith.constant 0 : i32
    %dma_start3A_7 = tpu.memref_slice %arg5[%dma_start3A, %dma_start3A_6] : memref<4x800xi32, #tpu.memory_space<vmem>> -> memref<1x800xi32, #tpu.memory_space<vmem>>
    %dma_start3A_8 = tpu.memref_squeeze %dma_start3A_7 : memref<1x800xi32, #tpu.memory_space<vmem>> -> memref<800xi32, #tpu.memory_space<vmem>>
    %dma_start3A_9 = tpu.memref_slice %arg2[%add3A_4] : memref<3276800xi32, #tpu.memory_space<hbm>> -> memref<800xi32, #tpu.memory_space<hbm>>
    %dma_start3A_10 = tpu.memref_slice %arg7[%dma_start3A_5] : memref<4x!tpu.dma_semaphore, #tpu.memory_space<semaphore_mem>> -> memref<1x!tpu.dma_semaphore, #tpu.memory_space<semaphore_mem>>
    %dma_start3A_11 = tpu.memref_squeeze %dma_start3A_10 : memref<1x!tpu.dma_semaphore, #tpu.memory_space<semaphore_mem>> -> memref<!tpu.dma_semaphore, #tpu.memory_space<semaphore_mem>>
    %dma_start3A_12 = arith.constant 0 : i32
    %dma_start3A_13 = tpu.memref_slice %arg5[%dma_start3A, %dma_start3A_12] : memref<4x800xi32, #tpu.memory_space<vmem>> -> memref<1x800xi32, #tpu.memory_space<vmem>>
    %dma_start3A_14 = tpu.memref_squeeze %dma_start3A_13 : memref<1x800xi32, #tpu.memory_space<vmem>> -> memref<800xi32, #tpu.memory_space<vmem>>
    %dma_start3A_15 = tpu.memref_slice %arg2[%add3A_4] : memref<3276800xi32, #tpu.memory_space<hbm>> -> memref<800xi32, #tpu.memory_space<hbm>>
    tpu.enqueue_dma source(%dma_start3A_15 : memref<800xi32, #tpu.memory_space<hbm>>) target(%dma_start3A_14 : memref<800xi32, #tpu.memory_space<vmem>>) target_semaphore(%dma_start3A_11 : memref<!tpu.dma_semaphore, #tpu.memory_space<semaphore_mem>>)
    %add3A_16 = arith.constant 800 : i32
    %add3A_17 = arith.addi %mul3A_2, %add3A_16 : i32
    %dma_start3A_18 = arith.constant 1 : i32
    %dma_start3A_19 = arith.constant 1 : i32
    %dma_start3A_20 = arith.constant 0 : i32
    %dma_start3A_21 = tpu.memref_slice %arg5[%dma_start3A_18, %dma_start3A_20] : memref<4x800xi32, #tpu.memory_space<vmem>> -> memref<1x800xi32, #tpu.memory_space<vmem>>
    %dma_start3A_22 = tpu.memref_squeeze %dma_start3A_21 : memref<1x800xi32, #tpu.memory_space<vmem>> -> memref<800xi32, #tpu.memory_space<vmem>>
    %dma_start3A_23 = tpu.memref_slice %arg2[%add3A_17] : memref<3276800xi32, #tpu.memory_space<hbm>> -> memref<800xi32, #tpu.memory_space<hbm>>
    %dma_start3A_24 = tpu.memref_slice %arg7[%dma_start3A_19] : memref<4x!tpu.dma_semaphore, #tpu.memory_space<semaphore_mem>> -> memref<1x!tpu.dma_semaphore, #tpu.memory_space<semaphore_mem>>
    %dma_start3A_25 = tpu.memref_squeeze %dma_start3A_24 : memref<1x!tpu.dma_semaphore, #tpu.memory_space<semaphore_mem>> -> memref<!tpu.dma_semaphore, #tpu.memory_space<semaphore_mem>>
    %dma_start3A_26 = arith.constant 0 : i32
    %dma_start3A_27 = tpu.memref_slice %arg5[%dma_start3A_18, %dma_start3A_26] : memref<4x800xi32, #tpu.memory_space<vmem>> -> memref<1x800xi32, #tpu.memory_space<vmem>>
    %dma_start3A_28 = tpu.memref_squeeze %dma_start3A_27 : memref<1x800xi32, #tpu.memory_space<vmem>> -> memref<800xi32, #tpu.memory_space<vmem>>
    %dma_start3A_29 = tpu.memref_slice %arg2[%add3A_17] : memref<3276800xi32, #tpu.memory_space<hbm>> -> memref<800xi32, #tpu.memory_space<hbm>>
    tpu.enqueue_dma source(%dma_start3A_29 : memref<800xi32, #tpu.memory_space<hbm>>) target(%dma_start3A_28 : memref<800xi32, #tpu.memory_space<vmem>>) target_semaphore(%dma_start3A_25 : memref<!tpu.dma_semaphore, #tpu.memory_space<semaphore_mem>>)
    %add3A_30 = arith.constant 1600 : i32
    %add3A_31 = arith.addi %mul3A_2, %add3A_30 : i32
    %dma_start3A_32 = arith.constant 2 : i32
    %dma_start3A_33 = arith.constant 2 : i32
    %dma_start3A_34 = arith.constant 0 : i32
    %dma_start3A_35 = tpu.memref_slice %arg5[%dma_start3A_32, %dma_start3A_34] : memref<4x800xi32, #tpu.memory_space<vmem>> -> memref<1x800xi32, #tpu.memory_space<vmem>>
    %dma_start3A_36 = tpu.memref_squeeze %dma_start3A_35 : memref<1x800xi32, #tpu.memory_space<vmem>> -> memref<800xi32, #tpu.memory_space<vmem>>
    %dma_start3A_37 = tpu.memref_slice %arg2[%add3A_31] : memref<3276800xi32, #tpu.memory_space<hbm>> -> memref<800xi32, #tpu.memory_space<hbm>>
    %dma_start3A_38 = tpu.memref_slice %arg7[%dma_start3A_33] : memref<4x!tpu.dma_semaphore, #tpu.memory_space<semaphore_mem>> -> memref<1x!tpu.dma_semaphore, #tpu.memory_space<semaphore_mem>>
    %dma_start3A_39 = tpu.memref_squeeze %dma_start3A_38 : memref<1x!tpu.dma_semaphore, #tpu.memory_space<semaphore_mem>> -> memref<!tpu.dma_semaphore, #tpu.memory_space<semaphore_mem>>
    %dma_start3A_40 = arith.constant 0 : i32
    %dma_start3A_41 = tpu.memref_slice %arg5[%dma_start3A_32, %dma_start3A_40] : memref<4x800xi32, #tpu.memory_space<vmem>> -> memref<1x800xi32, #tpu.memory_space<vmem>>
    %dma_start3A_42 = tpu.memref_squeeze %dma_start3A_41 : memref<1x800xi32, #tpu.memory_space<vmem>> -> memref<800xi32, #tpu.memory_space<vmem>>
    %dma_start3A_43 = tpu.memref_slice %arg2[%add3A_31] : memref<3276800xi32, #tpu.memory_space<hbm>> -> memref<800xi32, #tpu.memory_space<hbm>>
    tpu.enqueue_dma source(%dma_start3A_43 : memref<800xi32, #tpu.memory_space<hbm>>) target(%dma_start3A_42 : memref<800xi32, #tpu.memory_space<vmem>>) target_semaphore(%dma_start3A_39 : memref<!tpu.dma_semaphore, #tpu.memory_space<semaphore_mem>>)
    %add3A_44 = arith.constant 2400 : i32
    %add3A_45 = arith.addi %mul3A_2, %add3A_44 : i32
    %dma_start3A_46 = arith.constant 3 : i32
    %dma_start3A_47 = arith.constant 3 : i32
    %dma_start3A_48 = arith.constant 0 : i32
    %dma_start3A_49 = tpu.memref_slice %arg5[%dma_start3A_46, %dma_start3A_48] : memref<4x800xi32, #tpu.memory_space<vmem>> -> memref<1x800xi32, #tpu.memory_space<vmem>>
    %dma_start3A_50 = tpu.memref_squeeze %dma_start3A_49 : memref<1x800xi32, #tpu.memory_space<vmem>> -> memref<800xi32, #tpu.memory_space<vmem>>
    %dma_start3A_51 = tpu.memref_slice %arg2[%add3A_45] : memref<3276800xi32, #tpu.memory_space<hbm>> -> memref<800xi32, #tpu.memory_space<hbm>>
    %dma_start3A_52 = tpu.memref_slice %arg7[%dma_start3A_47] : memref<4x!tpu.dma_semaphore, #tpu.memory_space<semaphore_mem>> -> memref<1x!tpu.dma_semaphore, #tpu.memory_space<semaphore_mem>>
    %dma_start3A_53 = tpu.memref_squeeze %dma_start3A_52 : memref<1x!tpu.dma_semaphore, #tpu.memory_space<semaphore_mem>> -> memref<!tpu.dma_semaphore, #tpu.memory_space<semaphore_mem>>
    %dma_start3A_54 = arith.constant 0 : i32
    %dma_start3A_55 = tpu.memref_slice %arg5[%dma_start3A_46, %dma_start3A_54] : memref<4x800xi32, #tpu.memory_space<vmem>> -> memref<1x800xi32, #tpu.memory_space<vmem>>
    %dma_start3A_56 = tpu.memref_squeeze %dma_start3A_55 : memref<1x800xi32, #tpu.memory_space<vmem>> -> memref<800xi32, #tpu.memory_space<vmem>>
    %dma_start3A_57 = tpu.memref_slice %arg2[%add3A_45] : memref<3276800xi32, #tpu.memory_space<hbm>> -> memref<800xi32, #tpu.memory_space<hbm>>
    tpu.enqueue_dma source(%dma_start3A_57 : memref<800xi32, #tpu.memory_space<hbm>>) target(%dma_start3A_56 : memref<800xi32, #tpu.memory_space<vmem>>) target_semaphore(%dma_start3A_53 : memref<!tpu.dma_semaphore, #tpu.memory_space<semaphore_mem>>)
    %add3A_58 = arith.constant 0 : i32
    %add3A_59 = arith.addi %mul3A_2, %add3A_58 : i32
    %dma_wait3A = arith.constant 0 : i32
    %dma_wait3A_60 = arith.constant 0 : i32
    %dma_wait3A_61 = arith.constant 0 : i32
    %dma_wait3A_62 = tpu.memref_slice %arg5[%dma_wait3A, %dma_wait3A_61] : memref<4x800xi32, #tpu.memory_space<vmem>> -> memref<1x800xi32, #tpu.memory_space<vmem>>
    %dma_wait3A_63 = tpu.memref_squeeze %dma_wait3A_62 : memref<1x800xi32, #tpu.memory_space<vmem>> -> memref<800xi32, #tpu.memory_space<vmem>>
    %dma_wait3A_64 = tpu.memref_slice %arg2[%add3A_59] : memref<3276800xi32, #tpu.memory_space<hbm>> -> memref<800xi32, #tpu.memory_space<hbm>>
    %dma_wait3A_65 = tpu.memref_slice %arg7[%dma_wait3A_60] : memref<4x!tpu.dma_semaphore, #tpu.memory_space<semaphore_mem>> -> memref<1x!tpu.dma_semaphore, #tpu.memory_space<semaphore_mem>>
    %dma_wait3A_66 = tpu.memref_squeeze %dma_wait3A_65 : memref<1x!tpu.dma_semaphore, #tpu.memory_space<semaphore_mem>> -> memref<!tpu.dma_semaphore, #tpu.memory_space<semaphore_mem>>
    %dma_wait3A_67 = arith.constant 0 : i32
    %dma_wait3A_68 = tpu.memref_slice %arg5[%dma_wait3A, %dma_wait3A_67] : memref<4x800xi32, #tpu.memory_space<vmem>> -> memref<1x800xi32, #tpu.memory_space<vmem>>
    %dma_wait3A_69 = tpu.memref_squeeze %dma_wait3A_68 : memref<1x800xi32, #tpu.memory_space<vmem>> -> memref<800xi32, #tpu.memory_space<vmem>>
    %dma_wait3A_70 = tpu.memref_slice %arg2[%add3A_59] : memref<3276800xi32, #tpu.memory_space<hbm>> -> memref<800xi32, #tpu.memory_space<hbm>>
    tpu.wait_dma2 semaphore(%dma_wait3A_66 : memref<!tpu.dma_semaphore, #tpu.memory_space<semaphore_mem>>) src(%dma_wait3A_70 : memref<800xi32, #tpu.memory_space<hbm>>) dst(%dma_wait3A_69 : memref<800xi32, #tpu.memory_space<vmem>>)
    %dma_start3A_71 = arith.constant 0 : i32
    %dma_start3A_72 = arith.constant 0 : i32
    %dma_start3A_73 = arith.constant 0 : i32
    %dma_start3A_74 = arith.constant 0 : i32
    %dma_start3A_75 = arith.constant 0 : i32
    %dma_start3A_76 = tpu.memref_slice %arg6[%dma_start3A_72, %dma_start3A_74, %dma_start3A_75] : memref<4x800x32xf32, #tpu.memory_space<vmem>> -> memref<1x800x32xf32, #tpu.memory_space<vmem>>
    %dma_start3A_77 = tpu.memref_squeeze %dma_start3A_76 : memref<1x800x32xf32, #tpu.memory_space<vmem>> -> memref<800x32xf32, #tpu.memory_space<vmem>>
    %dma_start3A_78 = arith.constant 0 : i32
    %dma_start3A_79 = tpu.memref_slice %arg5[%dma_start3A_71, %dma_start3A_78] : memref<4x800xi32, #tpu.memory_space<vmem>> -> memref<1x800xi32, #tpu.memory_space<vmem>>
    %dma_start3A_80 = tpu.memref_squeeze %dma_start3A_79 : memref<1x800xi32, #tpu.memory_space<vmem>> -> memref<800xi32, #tpu.memory_space<vmem>>
    %dma_start3A_81 = arith.constant 0 : i32
    %dma_start3A_82 = arith.constant 0 : i32
    %dma_start3A_83 = tpu.memref_slice %arg3[%dma_start3A_81, %dma_start3A_82] : memref<1000000x32xf32, #tpu.memory_space<hbm>> -> memref<1000000x32xf32, #tpu.memory_space<hbm>>
    %dma_start3A_84 = tpu.memref_slice %arg8[%dma_start3A_73] : memref<4x!tpu.dma_semaphore, #tpu.memory_space<semaphore_mem>> -> memref<1x!tpu.dma_semaphore, #tpu.memory_space<semaphore_mem>>
    %dma_start3A_85 = tpu.memref_squeeze %dma_start3A_84 : memref<1x!tpu.dma_semaphore, #tpu.memory_space<semaphore_mem>> -> memref<!tpu.dma_semaphore, #tpu.memory_space<semaphore_mem>>
    tpu.enqueue_indirect_dma source(%dma_start3A_83 : memref<1000000x32xf32, #tpu.memory_space<hbm>>) target(%dma_start3A_77 : memref<800x32xf32, #tpu.memory_space<vmem>>) offsets(%dma_start3A_80 : memref<800xi32, #tpu.memory_space<vmem>>) semaphore(%dma_start3A_85 : memref<!tpu.dma_semaphore, #tpu.memory_space<semaphore_mem>>)
    %add3A_86 = arith.constant 800 : i32
    %add3A_87 = arith.addi %mul3A_2, %add3A_86 : i32
    %dma_wait3A_88 = arith.constant 1 : i32
    %dma_wait3A_89 = arith.constant 1 : i32
    %dma_wait3A_90 = arith.constant 0 : i32
    %dma_wait3A_91 = tpu.memref_slice %arg5[%dma_wait3A_88, %dma_wait3A_90] : memref<4x800xi32, #tpu.memory_space<vmem>> -> memref<1x800xi32, #tpu.memory_space<vmem>>
    %dma_wait3A_92 = tpu.memref_squeeze %dma_wait3A_91 : memref<1x800xi32, #tpu.memory_space<vmem>> -> memref<800xi32, #tpu.memory_space<vmem>>
    %dma_wait3A_93 = tpu.memref_slice %arg2[%add3A_87] : memref<3276800xi32, #tpu.memory_space<hbm>> -> memref<800xi32, #tpu.memory_space<hbm>>
    %dma_wait3A_94 = tpu.memref_slice %arg7[%dma_wait3A_89] : memref<4x!tpu.dma_semaphore, #tpu.memory_space<semaphore_mem>> -> memref<1x!tpu.dma_semaphore, #tpu.memory_space<semaphore_mem>>
    %dma_wait3A_95 = tpu.memref_squeeze %dma_wait3A_94 : memref<1x!tpu.dma_semaphore, #tpu.memory_space<semaphore_mem>> -> memref<!tpu.dma_semaphore, #tpu.memory_space<semaphore_mem>>
    %dma_wait3A_96 = arith.constant 0 : i32
    %dma_wait3A_97 = tpu.memref_slice %arg5[%dma_wait3A_88, %dma_wait3A_96] : memref<4x800xi32, #tpu.memory_space<vmem>> -> memref<1x800xi32, #tpu.memory_space<vmem>>
    %dma_wait3A_98 = tpu.memref_squeeze %dma_wait3A_97 : memref<1x800xi32, #tpu.memory_space<vmem>> -> memref<800xi32, #tpu.memory_space<vmem>>
    %dma_wait3A_99 = tpu.memref_slice %arg2[%add3A_87] : memref<3276800xi32, #tpu.memory_space<hbm>> -> memref<800xi32, #tpu.memory_space<hbm>>
    tpu.wait_dma2 semaphore(%dma_wait3A_95 : memref<!tpu.dma_semaphore, #tpu.memory_space<semaphore_mem>>) src(%dma_wait3A_99 : memref<800xi32, #tpu.memory_space<hbm>>) dst(%dma_wait3A_98 : memref<800xi32, #tpu.memory_space<vmem>>)
    %dma_start3A_100 = arith.constant 1 : i32
    %dma_start3A_101 = arith.constant 1 : i32
    %dma_start3A_102 = arith.constant 1 : i32
    %dma_start3A_103 = arith.constant 0 : i32
    %dma_start3A_104 = arith.constant 0 : i32
    %dma_start3A_105 = tpu.memref_slice %arg6[%dma_start3A_101, %dma_start3A_103, %dma_start3A_104] : memref<4x800x32xf32, #tpu.memory_space<vmem>> -> memref<1x800x32xf32, #tpu.memory_space<vmem>>
    %dma_start3A_106 = tpu.memref_squeeze %dma_start3A_105 : memref<1x800x32xf32, #tpu.memory_space<vmem>> -> memref<800x32xf32, #tpu.memory_space<vmem>>
    %dma_start3A_107 = arith.constant 0 : i32
    %dma_start3A_108 = tpu.memref_slice %arg5[%dma_start3A_100, %dma_start3A_107] : memref<4x800xi32, #tpu.memory_space<vmem>> -> memref<1x800xi32, #tpu.memory_space<vmem>>
    %dma_start3A_109 = tpu.memref_squeeze %dma_start3A_108 : memref<1x800xi32, #tpu.memory_space<vmem>> -> memref<800xi32, #tpu.memory_space<vmem>>
    %dma_start3A_110 = arith.constant 0 : i32
    %dma_start3A_111 = arith.constant 0 : i32
    %dma_start3A_112 = tpu.memref_slice %arg3[%dma_start3A_110, %dma_start3A_111] : memref<1000000x32xf32, #tpu.memory_space<hbm>> -> memref<1000000x32xf32, #tpu.memory_space<hbm>>
    %dma_start3A_113 = tpu.memref_slice %arg8[%dma_start3A_102] : memref<4x!tpu.dma_semaphore, #tpu.memory_space<semaphore_mem>> -> memref<1x!tpu.dma_semaphore, #tpu.memory_space<semaphore_mem>>
    %dma_start3A_114 = tpu.memref_squeeze %dma_start3A_113 : memref<1x!tpu.dma_semaphore, #tpu.memory_space<semaphore_mem>> -> memref<!tpu.dma_semaphore, #tpu.memory_space<semaphore_mem>>
    tpu.enqueue_indirect_dma source(%dma_start3A_112 : memref<1000000x32xf32, #tpu.memory_space<hbm>>) target(%dma_start3A_106 : memref<800x32xf32, #tpu.memory_space<vmem>>) offsets(%dma_start3A_109 : memref<800xi32, #tpu.memory_space<vmem>>) semaphore(%dma_start3A_114 : memref<!tpu.dma_semaphore, #tpu.memory_space<semaphore_mem>>)
    %scan3A = arith.constant 0 : i32
    %scan3A_115 = arith.constant 0 : i32
    %scan3A_116 = arith.constant 32 : i32
    %scan3A_117 = arith.addi %scan3A_115, %scan3A_116 : i32
    %scan3A_118 = arith.constant 1 : i32
    scf.for %scan3A_192 = %scan3A_115 to %scan3A_117 step %scan3A_118  : i32 {
      %mul3A_193 = arith.constant 4 : i32
      %mul3A_194 = arith.muli %scan3A_192, %mul3A_193 : i32
      %add3A_195 = arith.constant 0 : i32
      %add3A_196 = arith.addi %mul3A_194, %add3A_195 : i32
      %dma_wait3A_197 = arith.constant 0 : i32
      %dma_wait3A_198 = arith.constant 0 : i32
      %dma_wait3A_199 = arith.constant 0 : i32
      %dma_wait3A_200 = arith.constant 0 : i32
      %dma_wait3A_201 = arith.constant 0 : i32
      %dma_wait3A_202 = tpu.memref_slice %arg6[%dma_wait3A_198, %dma_wait3A_200, %dma_wait3A_201] : memref<4x800x32xf32, #tpu.memory_space<vmem>> -> memref<1x800x32xf32, #tpu.memory_space<vmem>>
      %dma_wait3A_203 = tpu.memref_squeeze %dma_wait3A_202 : memref<1x800x32xf32, #tpu.memory_space<vmem>> -> memref<800x32xf32, #tpu.memory_space<vmem>>
      %dma_wait3A_204 = arith.constant 0 : i32
      %dma_wait3A_205 = tpu.memref_slice %arg5[%dma_wait3A_197, %dma_wait3A_204] : memref<4x800xi32, #tpu.memory_space<vmem>> -> memref<1x800xi32, #tpu.memory_space<vmem>>
      %dma_wait3A_206 = tpu.memref_squeeze %dma_wait3A_205 : memref<1x800xi32, #tpu.memory_space<vmem>> -> memref<800xi32, #tpu.memory_space<vmem>>
      %dma_wait3A_207 = arith.constant 0 : i32
      %dma_wait3A_208 = arith.constant 0 : i32
      %dma_wait3A_209 = tpu.memref_slice %arg3[%dma_wait3A_207, %dma_wait3A_208] : memref<1000000x32xf32, #tpu.memory_space<hbm>> -> memref<1000000x32xf32, #tpu.memory_space<hbm>>
      %dma_wait3A_210 = tpu.memref_slice %arg8[%dma_wait3A_199] : memref<4x!tpu.dma_semaphore, #tpu.memory_space<semaphore_mem>> -> memref<1x!tpu.dma_semaphore, #tpu.memory_space<semaphore_mem>>
      %dma_wait3A_211 = tpu.memref_squeeze %dma_wait3A_210 : memref<1x!tpu.dma_semaphore, #tpu.memory_space<semaphore_mem>> -> memref<!tpu.dma_semaphore, #tpu.memory_space<semaphore_mem>>
      tpu.wait_indirect_dma semaphore(%dma_wait3A_211 : memref<!tpu.dma_semaphore, #tpu.memory_space<semaphore_mem>>) src(%dma_wait3A_209 : memref<1000000x32xf32, #tpu.memory_space<hbm>>) dst(%dma_wait3A_203 : memref<800x32xf32, #tpu.memory_space<vmem>>)
      %mul3A_212 = arith.constant 800 : i32
      %mul3A_213 = arith.muli %add3A_196, %mul3A_212 : i32
      %add3A_214 = arith.addi %mul3A_2, %mul3A_213 : i32
      %dma_start3A_215 = arith.constant 0 : i32
      %dma_start3A_216 = arith.constant 0 : i32
      %dma_start3A_217 = arith.constant 0 : i32
      %dma_start3A_218 = arith.constant 0 : i32
      %dma_start3A_219 = tpu.memref_slice %arg6[%dma_start3A_215, %dma_start3A_217, %dma_start3A_218] : memref<4x800x32xf32, #tpu.memory_space<vmem>> -> memref<1x800x32xf32, #tpu.memory_space<vmem>>
      %dma_start3A_220 = tpu.memref_squeeze %dma_start3A_219 : memref<1x800x32xf32, #tpu.memory_space<vmem>> -> memref<800x32xf32, #tpu.memory_space<vmem>>
      %dma_start3A_221 = arith.constant 0 : i32
      %dma_start3A_222 = tpu.memref_slice %arg4[%add3A_214, %dma_start3A_221] : memref<3276800x32xf32, #tpu.memory_space<hbm>> -> memref<800x32xf32, #tpu.memory_space<hbm>>
      %dma_start3A_223 = tpu.memref_slice %arg9[%dma_start3A_216] : memref<4x!tpu.dma_semaphore, #tpu.memory_space<semaphore_mem>> -> memref<1x!tpu.dma_semaphore, #tpu.memory_space<semaphore_mem>>
      %dma_start3A_224 = tpu.memref_squeeze %dma_start3A_223 : memref<1x!tpu.dma_semaphore, #tpu.memory_space<semaphore_mem>> -> memref<!tpu.dma_semaphore, #tpu.memory_space<semaphore_mem>>
      %dma_start3A_225 = arith.constant 0 : i32
      %dma_start3A_226 = tpu.memref_slice %arg4[%add3A_214, %dma_start3A_225] : memref<3276800x32xf32, #tpu.memory_space<hbm>> -> memref<800x32xf32, #tpu.memory_space<hbm>>
      %dma_start3A_227 = arith.constant 0 : i32
      %dma_start3A_228 = arith.constant 0 : i32
      %dma_start3A_229 = tpu.memref_slice %arg6[%dma_start3A_215, %dma_start3A_227, %dma_start3A_228] : memref<4x800x32xf32, #tpu.memory_space<vmem>> -> memref<1x800x32xf32, #tpu.memory_space<vmem>>
      %dma_start3A_230 = tpu.memref_squeeze %dma_start3A_229 : memref<1x800x32xf32, #tpu.memory_space<vmem>> -> memref<800x32xf32, #tpu.memory_space<vmem>>
      tpu.enqueue_dma source(%dma_start3A_230 : memref<800x32xf32, #tpu.memory_space<vmem>>) target(%dma_start3A_226 : memref<800x32xf32, #tpu.memory_space<hbm>>) target_semaphore(%dma_start3A_224 : memref<!tpu.dma_semaphore, #tpu.memory_space<semaphore_mem>>)
      %add3A_231 = arith.constant 4 : i32
      %add3A_232 = arith.addi %add3A_196, %add3A_231 : i32
      %lt3A = arith.constant 128 : i32
      %lt3A_233 = arith.cmpi slt, %add3A_232, %lt3A : i32
      %convert_element_type3A = arith.extui %lt3A_233 : i1 to i32
      %cond3A = arith.constant 0 : i32
      %cond3A_234 = arith.cmpi ne, %convert_element_type3A, %cond3A : i32
      scf.if %cond3A_234 {
        %mul3A_392 = arith.constant 800 : i32
        %mul3A_393 = arith.muli %add3A_232, %mul3A_392 : i32
        %add3A_394 = arith.addi %mul3A_2, %mul3A_393 : i32
        %dma_start3A_395 = arith.constant 0 : i32
        %dma_start3A_396 = arith.constant 0 : i32
        %dma_start3A_397 = arith.constant 0 : i32
        %dma_start3A_398 = tpu.memref_slice %arg5[%dma_start3A_395, %dma_start3A_397] : memref<4x800xi32, #tpu.memory_space<vmem>> -> memref<1x800xi32, #tpu.memory_space<vmem>>
        %dma_start3A_399 = tpu.memref_squeeze %dma_start3A_398 : memref<1x800xi32, #tpu.memory_space<vmem>> -> memref<800xi32, #tpu.memory_space<vmem>>
        %dma_start3A_400 = tpu.memref_slice %arg2[%add3A_394] : memref<3276800xi32, #tpu.memory_space<hbm>> -> memref<800xi32, #tpu.memory_space<hbm>>
        %dma_start3A_401 = tpu.memref_slice %arg7[%dma_start3A_396] : memref<4x!tpu.dma_semaphore, #tpu.memory_space<semaphore_mem>> -> memref<1x!tpu.dma_semaphore, #tpu.memory_space<semaphore_mem>>
        %dma_start3A_402 = tpu.memref_squeeze %dma_start3A_401 : memref<1x!tpu.dma_semaphore, #tpu.memory_space<semaphore_mem>> -> memref<!tpu.dma_semaphore, #tpu.memory_space<semaphore_mem>>
        %dma_start3A_403 = arith.constant 0 : i32
        %dma_start3A_404 = tpu.memref_slice %arg5[%dma_start3A_395, %dma_start3A_403] : memref<4x800xi32, #tpu.memory_space<vmem>> -> memref<1x800xi32, #tpu.memory_space<vmem>>
        %dma_start3A_405 = tpu.memref_squeeze %dma_start3A_404 : memref<1x800xi32, #tpu.memory_space<vmem>> -> memref<800xi32, #tpu.memory_space<vmem>>
        %dma_start3A_406 = tpu.memref_slice %arg2[%add3A_394] : memref<3276800xi32, #tpu.memory_space<hbm>> -> memref<800xi32, #tpu.memory_space<hbm>>
        tpu.enqueue_dma source(%dma_start3A_406 : memref<800xi32, #tpu.memory_space<hbm>>) target(%dma_start3A_405 : memref<800xi32, #tpu.memory_space<vmem>>) target_semaphore(%dma_start3A_402 : memref<!tpu.dma_semaphore, #tpu.memory_space<semaphore_mem>>)
      } else {
      }
      %add3A_235 = arith.constant 2 : i32
      %add3A_236 = arith.addi %add3A_196, %add3A_235 : i32
      %lt3A_237 = arith.constant 128 : i32
      %lt3A_238 = arith.cmpi slt, %add3A_236, %lt3A_237 : i32
      %convert_element_type3A_239 = arith.extui %lt3A_238 : i1 to i32
      %cond3A_240 = arith.constant 0 : i32
      %cond3A_241 = arith.cmpi ne, %convert_element_type3A_239, %cond3A_240 : i32
      scf.if %cond3A_241 {
        %ge3A = arith.constant 4 : i32
        %ge3A_392 = arith.cmpi sge, %add3A_236, %ge3A : i32
        %convert_element_type3A_393 = arith.extui %ge3A_392 : i1 to i32
        %cond3A_394 = arith.constant 0 : i32
        %cond3A_395 = arith.cmpi ne, %convert_element_type3A_393, %cond3A_394 : i32
        scf.if %cond3A_395 {
          %sub3A = arith.constant 4 : i32
          %sub3A_426 = arith.subi %add3A_236, %sub3A : i32
          %mul3A_427 = arith.constant 800 : i32
          %mul3A_428 = arith.muli %sub3A_426, %mul3A_427 : i32
          %add3A_429 = arith.addi %mul3A_2, %mul3A_428 : i32
          %dma_wait3A_430 = arith.constant 2 : i32
          %dma_wait3A_431 = arith.constant 2 : i32
          %dma_wait3A_432 = arith.constant 0 : i32
          %dma_wait3A_433 = arith.constant 0 : i32
          %dma_wait3A_434 = tpu.memref_slice %arg6[%dma_wait3A_430, %dma_wait3A_432, %dma_wait3A_433] : memref<4x800x32xf32, #tpu.memory_space<vmem>> -> memref<1x800x32xf32, #tpu.memory_space<vmem>>
          %dma_wait3A_435 = tpu.memref_squeeze %dma_wait3A_434 : memref<1x800x32xf32, #tpu.memory_space<vmem>> -> memref<800x32xf32, #tpu.memory_space<vmem>>
          %dma_wait3A_436 = arith.constant 0 : i32
          %dma_wait3A_437 = tpu.memref_slice %arg4[%add3A_429, %dma_wait3A_436] : memref<3276800x32xf32, #tpu.memory_space<hbm>> -> memref<800x32xf32, #tpu.memory_space<hbm>>
          %dma_wait3A_438 = tpu.memref_slice %arg9[%dma_wait3A_431] : memref<4x!tpu.dma_semaphore, #tpu.memory_space<semaphore_mem>> -> memref<1x!tpu.dma_semaphore, #tpu.memory_space<semaphore_mem>>
          %dma_wait3A_439 = tpu.memref_squeeze %dma_wait3A_438 : memref<1x!tpu.dma_semaphore, #tpu.memory_space<semaphore_mem>> -> memref<!tpu.dma_semaphore, #tpu.memory_space<semaphore_mem>>
          %dma_wait3A_440 = arith.constant 0 : i32
          %dma_wait3A_441 = tpu.memref_slice %arg4[%add3A_429, %dma_wait3A_440] : memref<3276800x32xf32, #tpu.memory_space<hbm>> -> memref<800x32xf32, #tpu.memory_space<hbm>>
          %dma_wait3A_442 = arith.constant 0 : i32
          %dma_wait3A_443 = arith.constant 0 : i32
          %dma_wait3A_444 = tpu.memref_slice %arg6[%dma_wait3A_430, %dma_wait3A_442, %dma_wait3A_443] : memref<4x800x32xf32, #tpu.memory_space<vmem>> -> memref<1x800x32xf32, #tpu.memory_space<vmem>>
          %dma_wait3A_445 = tpu.memref_squeeze %dma_wait3A_444 : memref<1x800x32xf32, #tpu.memory_space<vmem>> -> memref<800x32xf32, #tpu.memory_space<vmem>>
          tpu.wait_dma2 semaphore(%dma_wait3A_439 : memref<!tpu.dma_semaphore, #tpu.memory_space<semaphore_mem>>) src(%dma_wait3A_445 : memref<800x32xf32, #tpu.memory_space<vmem>>) dst(%dma_wait3A_441 : memref<800x32xf32, #tpu.memory_space<hbm>>)
        } else {
        }
        %mul3A_396 = arith.constant 800 : i32
        %mul3A_397 = arith.muli %add3A_236, %mul3A_396 : i32
        %add3A_398 = arith.addi %mul3A_2, %mul3A_397 : i32
        %dma_wait3A_399 = arith.constant 2 : i32
        %dma_wait3A_400 = arith.constant 2 : i32
        %dma_wait3A_401 = arith.constant 0 : i32
        %dma_wait3A_402 = tpu.memref_slice %arg5[%dma_wait3A_399, %dma_wait3A_401] : memref<4x800xi32, #tpu.memory_space<vmem>> -> memref<1x800xi32, #tpu.memory_space<vmem>>
        %dma_wait3A_403 = tpu.memref_squeeze %dma_wait3A_402 : memref<1x800xi32, #tpu.memory_space<vmem>> -> memref<800xi32, #tpu.memory_space<vmem>>
        %dma_wait3A_404 = tpu.memref_slice %arg2[%add3A_398] : memref<3276800xi32, #tpu.memory_space<hbm>> -> memref<800xi32, #tpu.memory_space<hbm>>
        %dma_wait3A_405 = tpu.memref_slice %arg7[%dma_wait3A_400] : memref<4x!tpu.dma_semaphore, #tpu.memory_space<semaphore_mem>> -> memref<1x!tpu.dma_semaphore, #tpu.memory_space<semaphore_mem>>
        %dma_wait3A_406 = tpu.memref_squeeze %dma_wait3A_405 : memref<1x!tpu.dma_semaphore, #tpu.memory_space<semaphore_mem>> -> memref<!tpu.dma_semaphore, #tpu.memory_space<semaphore_mem>>
        %dma_wait3A_407 = arith.constant 0 : i32
        %dma_wait3A_408 = tpu.memref_slice %arg5[%dma_wait3A_399, %dma_wait3A_407] : memref<4x800xi32, #tpu.memory_space<vmem>> -> memref<1x800xi32, #tpu.memory_space<vmem>>
        %dma_wait3A_409 = tpu.memref_squeeze %dma_wait3A_408 : memref<1x800xi32, #tpu.memory_space<vmem>> -> memref<800xi32, #tpu.memory_space<vmem>>
        %dma_wait3A_410 = tpu.memref_slice %arg2[%add3A_398] : memref<3276800xi32, #tpu.memory_space<hbm>> -> memref<800xi32, #tpu.memory_space<hbm>>
        tpu.wait_dma2 semaphore(%dma_wait3A_406 : memref<!tpu.dma_semaphore, #tpu.memory_space<semaphore_mem>>) src(%dma_wait3A_410 : memref<800xi32, #tpu.memory_space<hbm>>) dst(%dma_wait3A_409 : memref<800xi32, #tpu.memory_space<vmem>>)
        %dma_start3A_411 = arith.constant 2 : i32
        %dma_start3A_412 = arith.constant 2 : i32
        %dma_start3A_413 = arith.constant 2 : i32
        %dma_start3A_414 = arith.constant 0 : i32
        %dma_start3A_415 = arith.constant 0 : i32
        %dma_start3A_416 = tpu.memref_slice %arg6[%dma_start3A_412, %dma_start3A_414, %dma_start3A_415] : memref<4x800x32xf32, #tpu.memory_space<vmem>> -> memref<1x800x32xf32, #tpu.memory_space<vmem>>
        %dma_start3A_417 = tpu.memref_squeeze %dma_start3A_416 : memref<1x800x32xf32, #tpu.memory_space<vmem>> -> memref<800x32xf32, #tpu.memory_space<vmem>>
        %dma_start3A_418 = arith.constant 0 : i32
        %dma_start3A_419 = tpu.memref_slice %arg5[%dma_start3A_411, %dma_start3A_418] : memref<4x800xi32, #tpu.memory_space<vmem>> -> memref<1x800xi32, #tpu.memory_space<vmem>>
        %dma_start3A_420 = tpu.memref_squeeze %dma_start3A_419 : memref<1x800xi32, #tpu.memory_space<vmem>> -> memref<800xi32, #tpu.memory_space<vmem>>
        %dma_start3A_421 = arith.constant 0 : i32
        %dma_start3A_422 = arith.constant 0 : i32
        %dma_start3A_423 = tpu.memref_slice %arg3[%dma_start3A_421, %dma_start3A_422] : memref<1000000x32xf32, #tpu.memory_space<hbm>> -> memref<1000000x32xf32, #tpu.memory_space<hbm>>
        %dma_start3A_424 = tpu.memref_slice %arg8[%dma_start3A_413] : memref<4x!tpu.dma_semaphore, #tpu.memory_space<semaphore_mem>> -> memref<1x!tpu.dma_semaphore, #tpu.memory_space<semaphore_mem>>
        %dma_start3A_425 = tpu.memref_squeeze %dma_start3A_424 : memref<1x!tpu.dma_semaphore, #tpu.memory_space<semaphore_mem>> -> memref<!tpu.dma_semaphore, #tpu.memory_space<semaphore_mem>>
        tpu.enqueue_indirect_dma source(%dma_start3A_423 : memref<1000000x32xf32, #tpu.memory_space<hbm>>) target(%dma_start3A_417 : memref<800x32xf32, #tpu.memory_space<vmem>>) offsets(%dma_start3A_420 : memref<800xi32, #tpu.memory_space<vmem>>) semaphore(%dma_start3A_425 : memref<!tpu.dma_semaphore, #tpu.memory_space<semaphore_mem>>)
      } else {
      }
      %add3A_242 = arith.constant 1 : i32
      %add3A_243 = arith.addi %mul3A_194, %add3A_242 : i32
      %dma_wait3A_244 = arith.constant 1 : i32
      %dma_wait3A_245 = arith.constant 1 : i32
      %dma_wait3A_246 = arith.constant 1 : i32
      %dma_wait3A_247 = arith.constant 0 : i32
      %dma_wait3A_248 = arith.constant 0 : i32
      %dma_wait3A_249 = tpu.memref_slice %arg6[%dma_wait3A_245, %dma_wait3A_247, %dma_wait3A_248] : memref<4x800x32xf32, #tpu.memory_space<vmem>> -> memref<1x800x32xf32, #tpu.memory_space<vmem>>
      %dma_wait3A_250 = tpu.memref_squeeze %dma_wait3A_249 : memref<1x800x32xf32, #tpu.memory_space<vmem>> -> memref<800x32xf32, #tpu.memory_space<vmem>>
      %dma_wait3A_251 = arith.constant 0 : i32
      %dma_wait3A_252 = tpu.memref_slice %arg5[%dma_wait3A_244, %dma_wait3A_251] : memref<4x800xi32, #tpu.memory_space<vmem>> -> memref<1x800xi32, #tpu.memory_space<vmem>>
      %dma_wait3A_253 = tpu.memref_squeeze %dma_wait3A_252 : memref<1x800xi32, #tpu.memory_space<vmem>> -> memref<800xi32, #tpu.memory_space<vmem>>
      %dma_wait3A_254 = arith.constant 0 : i32
      %dma_wait3A_255 = arith.constant 0 : i32
      %dma_wait3A_256 = tpu.memref_slice %arg3[%dma_wait3A_254, %dma_wait3A_255] : memref<1000000x32xf32, #tpu.memory_space<hbm>> -> memref<1000000x32xf32, #tpu.memory_space<hbm>>
      %dma_wait3A_257 = tpu.memref_slice %arg8[%dma_wait3A_246] : memref<4x!tpu.dma_semaphore, #tpu.memory_space<semaphore_mem>> -> memref<1x!tpu.dma_semaphore, #tpu.memory_space<semaphore_mem>>
      %dma_wait3A_258 = tpu.memref_squeeze %dma_wait3A_257 : memref<1x!tpu.dma_semaphore, #tpu.memory_space<semaphore_mem>> -> memref<!tpu.dma_semaphore, #tpu.memory_space<semaphore_mem>>
      tpu.wait_indirect_dma semaphore(%dma_wait3A_258 : memref<!tpu.dma_semaphore, #tpu.memory_space<semaphore_mem>>) src(%dma_wait3A_256 : memref<1000000x32xf32, #tpu.memory_space<hbm>>) dst(%dma_wait3A_250 : memref<800x32xf32, #tpu.memory_space<vmem>>)
      %mul3A_259 = arith.constant 800 : i32
      %mul3A_260 = arith.muli %add3A_243, %mul3A_259 : i32
      %add3A_261 = arith.addi %mul3A_2, %mul3A_260 : i32
      %dma_start3A_262 = arith.constant 1 : i32
      %dma_start3A_263 = arith.constant 1 : i32
      %dma_start3A_264 = arith.constant 0 : i32
      %dma_start3A_265 = arith.constant 0 : i32
      %dma_start3A_266 = tpu.memref_slice %arg6[%dma_start3A_262, %dma_start3A_264, %dma_start3A_265] : memref<4x800x32xf32, #tpu.memory_space<vmem>> -> memref<1x800x32xf32, #tpu.memory_space<vmem>>
      %dma_start3A_267 = tpu.memref_squeeze %dma_start3A_266 : memref<1x800x32xf32, #tpu.memory_space<vmem>> -> memref<800x32xf32, #tpu.memory_space<vmem>>
      %dma_start3A_268 = arith.constant 0 : i32
      %dma_start3A_269 = tpu.memref_slice %arg4[%add3A_261, %dma_start3A_268] : memref<3276800x32xf32, #tpu.memory_space<hbm>> -> memref<800x32xf32, #tpu.memory_space<hbm>>
      %dma_start3A_270 = tpu.memref_slice %arg9[%dma_start3A_263] : memref<4x!tpu.dma_semaphore, #tpu.memory_space<semaphore_mem>> -> memref<1x!tpu.dma_semaphore, #tpu.memory_space<semaphore_mem>>
      %dma_start3A_271 = tpu.memref_squeeze %dma_start3A_270 : memref<1x!tpu.dma_semaphore, #tpu.memory_space<semaphore_mem>> -> memref<!tpu.dma_semaphore, #tpu.memory_space<semaphore_mem>>
      %dma_start3A_272 = arith.constant 0 : i32
      %dma_start3A_273 = tpu.memref_slice %arg4[%add3A_261, %dma_start3A_272] : memref<3276800x32xf32, #tpu.memory_space<hbm>> -> memref<800x32xf32, #tpu.memory_space<hbm>>
      %dma_start3A_274 = arith.constant 0 : i32
      %dma_start3A_275 = arith.constant 0 : i32
      %dma_start3A_276 = tpu.memref_slice %arg6[%dma_start3A_262, %dma_start3A_274, %dma_start3A_275] : memref<4x800x32xf32, #tpu.memory_space<vmem>> -> memref<1x800x32xf32, #tpu.memory_space<vmem>>
      %dma_start3A_277 = tpu.memref_squeeze %dma_start3A_276 : memref<1x800x32xf32, #tpu.memory_space<vmem>> -> memref<800x32xf32, #tpu.memory_space<vmem>>
      tpu.enqueue_dma source(%dma_start3A_277 : memref<800x32xf32, #tpu.memory_space<vmem>>) target(%dma_start3A_273 : memref<800x32xf32, #tpu.memory_space<hbm>>) target_semaphore(%dma_start3A_271 : memref<!tpu.dma_semaphore, #tpu.memory_space<semaphore_mem>>)
      %add3A_278 = arith.constant 4 : i32
      %add3A_279 = arith.addi %add3A_243, %add3A_278 : i32
      %lt3A_280 = arith.constant 128 : i32
      %lt3A_281 = arith.cmpi slt, %add3A_279, %lt3A_280 : i32
      %convert_element_type3A_282 = arith.extui %lt3A_281 : i1 to i32
      %cond3A_283 = arith.constant 0 : i32
      %cond3A_284 = arith.cmpi ne, %convert_element_type3A_282, %cond3A_283 : i32
      scf.if %cond3A_284 {
        %mul3A_392 = arith.constant 800 : i32
        %mul3A_393 = arith.muli %add3A_279, %mul3A_392 : i32
        %add3A_394 = arith.addi %mul3A_2, %mul3A_393 : i32
        %dma_start3A_395 = arith.constant 1 : i32
        %dma_start3A_396 = arith.constant 1 : i32
        %dma_start3A_397 = arith.constant 0 : i32
        %dma_start3A_398 = tpu.memref_slice %arg5[%dma_start3A_395, %dma_start3A_397] : memref<4x800xi32, #tpu.memory_space<vmem>> -> memref<1x800xi32, #tpu.memory_space<vmem>>
        %dma_start3A_399 = tpu.memref_squeeze %dma_start3A_398 : memref<1x800xi32, #tpu.memory_space<vmem>> -> memref<800xi32, #tpu.memory_space<vmem>>
        %dma_start3A_400 = tpu.memref_slice %arg2[%add3A_394] : memref<3276800xi32, #tpu.memory_space<hbm>> -> memref<800xi32, #tpu.memory_space<hbm>>
        %dma_start3A_401 = tpu.memref_slice %arg7[%dma_start3A_396] : memref<4x!tpu.dma_semaphore, #tpu.memory_space<semaphore_mem>> -> memref<1x!tpu.dma_semaphore, #tpu.memory_space<semaphore_mem>>
        %dma_start3A_402 = tpu.memref_squeeze %dma_start3A_401 : memref<1x!tpu.dma_semaphore, #tpu.memory_space<semaphore_mem>> -> memref<!tpu.dma_semaphore, #tpu.memory_space<semaphore_mem>>
        %dma_start3A_403 = arith.constant 0 : i32
        %dma_start3A_404 = tpu.memref_slice %arg5[%dma_start3A_395, %dma_start3A_403] : memref<4x800xi32, #tpu.memory_space<vmem>> -> memref<1x800xi32, #tpu.memory_space<vmem>>
        %dma_start3A_405 = tpu.memref_squeeze %dma_start3A_404 : memref<1x800xi32, #tpu.memory_space<vmem>> -> memref<800xi32, #tpu.memory_space<vmem>>
        %dma_start3A_406 = tpu.memref_slice %arg2[%add3A_394] : memref<3276800xi32, #tpu.memory_space<hbm>> -> memref<800xi32, #tpu.memory_space<hbm>>
        tpu.enqueue_dma source(%dma_start3A_406 : memref<800xi32, #tpu.memory_space<hbm>>) target(%dma_start3A_405 : memref<800xi32, #tpu.memory_space<vmem>>) target_semaphore(%dma_start3A_402 : memref<!tpu.dma_semaphore, #tpu.memory_space<semaphore_mem>>)
      } else {
      }
      %add3A_285 = arith.constant 2 : i32
      %add3A_286 = arith.addi %add3A_243, %add3A_285 : i32
      %lt3A_287 = arith.constant 128 : i32
      %lt3A_288 = arith.cmpi slt, %add3A_286, %lt3A_287 : i32
      %convert_element_type3A_289 = arith.extui %lt3A_288 : i1 to i32
      %cond3A_290 = arith.constant 0 : i32
      %cond3A_291 = arith.cmpi ne, %convert_element_type3A_289, %cond3A_290 : i32
      scf.if %cond3A_291 {
        %ge3A = arith.constant 4 : i32
        %ge3A_392 = arith.cmpi sge, %add3A_286, %ge3A : i32
        %convert_element_type3A_393 = arith.extui %ge3A_392 : i1 to i32
        %cond3A_394 = arith.constant 0 : i32
        %cond3A_395 = arith.cmpi ne, %convert_element_type3A_393, %cond3A_394 : i32
        scf.if %cond3A_395 {
          %sub3A = arith.constant 4 : i32
          %sub3A_426 = arith.subi %add3A_286, %sub3A : i32
          %mul3A_427 = arith.constant 800 : i32
          %mul3A_428 = arith.muli %sub3A_426, %mul3A_427 : i32
          %add3A_429 = arith.addi %mul3A_2, %mul3A_428 : i32
          %dma_wait3A_430 = arith.constant 3 : i32
          %dma_wait3A_431 = arith.constant 3 : i32
          %dma_wait3A_432 = arith.constant 0 : i32
          %dma_wait3A_433 = arith.constant 0 : i32
          %dma_wait3A_434 = tpu.memref_slice %arg6[%dma_wait3A_430, %dma_wait3A_432, %dma_wait3A_433] : memref<4x800x32xf32, #tpu.memory_space<vmem>> -> memref<1x800x32xf32, #tpu.memory_space<vmem>>
          %dma_wait3A_435 = tpu.memref_squeeze %dma_wait3A_434 : memref<1x800x32xf32, #tpu.memory_space<vmem>> -> memref<800x32xf32, #tpu.memory_space<vmem>>
          %dma_wait3A_436 = arith.constant 0 : i32
          %dma_wait3A_437 = tpu.memref_slice %arg4[%add3A_429, %dma_wait3A_436] : memref<3276800x32xf32, #tpu.memory_space<hbm>> -> memref<800x32xf32, #tpu.memory_space<hbm>>
          %dma_wait3A_438 = tpu.memref_slice %arg9[%dma_wait3A_431] : memref<4x!tpu.dma_semaphore, #tpu.memory_space<semaphore_mem>> -> memref<1x!tpu.dma_semaphore, #tpu.memory_space<semaphore_mem>>
          %dma_wait3A_439 = tpu.memref_squeeze %dma_wait3A_438 : memref<1x!tpu.dma_semaphore, #tpu.memory_space<semaphore_mem>> -> memref<!tpu.dma_semaphore, #tpu.memory_space<semaphore_mem>>
          %dma_wait3A_440 = arith.constant 0 : i32
          %dma_wait3A_441 = tpu.memref_slice %arg4[%add3A_429, %dma_wait3A_440] : memref<3276800x32xf32, #tpu.memory_space<hbm>> -> memref<800x32xf32, #tpu.memory_space<hbm>>
          %dma_wait3A_442 = arith.constant 0 : i32
          %dma_wait3A_443 = arith.constant 0 : i32
          %dma_wait3A_444 = tpu.memref_slice %arg6[%dma_wait3A_430, %dma_wait3A_442, %dma_wait3A_443] : memref<4x800x32xf32, #tpu.memory_space<vmem>> -> memref<1x800x32xf32, #tpu.memory_space<vmem>>
          %dma_wait3A_445 = tpu.memref_squeeze %dma_wait3A_444 : memref<1x800x32xf32, #tpu.memory_space<vmem>> -> memref<800x32xf32, #tpu.memory_space<vmem>>
          tpu.wait_dma2 semaphore(%dma_wait3A_439 : memref<!tpu.dma_semaphore, #tpu.memory_space<semaphore_mem>>) src(%dma_wait3A_445 : memref<800x32xf32, #tpu.memory_space<vmem>>) dst(%dma_wait3A_441 : memref<800x32xf32, #tpu.memory_space<hbm>>)
        } else {
        }
        %mul3A_396 = arith.constant 800 : i32
        %mul3A_397 = arith.muli %add3A_286, %mul3A_396 : i32
        %add3A_398 = arith.addi %mul3A_2, %mul3A_397 : i32
        %dma_wait3A_399 = arith.constant 3 : i32
        %dma_wait3A_400 = arith.constant 3 : i32
        %dma_wait3A_401 = arith.constant 0 : i32
        %dma_wait3A_402 = tpu.memref_slice %arg5[%dma_wait3A_399, %dma_wait3A_401] : memref<4x800xi32, #tpu.memory_space<vmem>> -> memref<1x800xi32, #tpu.memory_space<vmem>>
        %dma_wait3A_403 = tpu.memref_squeeze %dma_wait3A_402 : memref<1x800xi32, #tpu.memory_space<vmem>> -> memref<800xi32, #tpu.memory_space<vmem>>
        %dma_wait3A_404 = tpu.memref_slice %arg2[%add3A_398] : memref<3276800xi32, #tpu.memory_space<hbm>> -> memref<800xi32, #tpu.memory_space<hbm>>
        %dma_wait3A_405 = tpu.memref_slice %arg7[%dma_wait3A_400] : memref<4x!tpu.dma_semaphore, #tpu.memory_space<semaphore_mem>> -> memref<1x!tpu.dma_semaphore, #tpu.memory_space<semaphore_mem>>
        %dma_wait3A_406 = tpu.memref_squeeze %dma_wait3A_405 : memref<1x!tpu.dma_semaphore, #tpu.memory_space<semaphore_mem>> -> memref<!tpu.dma_semaphore, #tpu.memory_space<semaphore_mem>>
        %dma_wait3A_407 = arith.constant 0 : i32
        %dma_wait3A_408 = tpu.memref_slice %arg5[%dma_wait3A_399, %dma_wait3A_407] : memref<4x800xi32, #tpu.memory_space<vmem>> -> memref<1x800xi32, #tpu.memory_space<vmem>>
        %dma_wait3A_409 = tpu.memref_squeeze %dma_wait3A_408 : memref<1x800xi32, #tpu.memory_space<vmem>> -> memref<800xi32, #tpu.memory_space<vmem>>
        %dma_wait3A_410 = tpu.memref_slice %arg2[%add3A_398] : memref<3276800xi32, #tpu.memory_space<hbm>> -> memref<800xi32, #tpu.memory_space<hbm>>
        tpu.wait_dma2 semaphore(%dma_wait3A_406 : memref<!tpu.dma_semaphore, #tpu.memory_space<semaphore_mem>>) src(%dma_wait3A_410 : memref<800xi32, #tpu.memory_space<hbm>>) dst(%dma_wait3A_409 : memref<800xi32, #tpu.memory_space<vmem>>)
        %dma_start3A_411 = arith.constant 3 : i32
        %dma_start3A_412 = arith.constant 3 : i32
        %dma_start3A_413 = arith.constant 3 : i32
        %dma_start3A_414 = arith.constant 0 : i32
        %dma_start3A_415 = arith.constant 0 : i32
        %dma_start3A_416 = tpu.memref_slice %arg6[%dma_start3A_412, %dma_start3A_414, %dma_start3A_415] : memref<4x800x32xf32, #tpu.memory_space<vmem>> -> memref<1x800x32xf32, #tpu.memory_space<vmem>>
        %dma_start3A_417 = tpu.memref_squeeze %dma_start3A_416 : memref<1x800x32xf32, #tpu.memory_space<vmem>> -> memref<800x32xf32, #tpu.memory_space<vmem>>
        %dma_start3A_418 = arith.constant 0 : i32
        %dma_start3A_419 = tpu.memref_slice %arg5[%dma_start3A_411, %dma_start3A_418] : memref<4x800xi32, #tpu.memory_space<vmem>> -> memref<1x800xi32, #tpu.memory_space<vmem>>
        %dma_start3A_420 = tpu.memref_squeeze %dma_start3A_419 : memref<1x800xi32, #tpu.memory_space<vmem>> -> memref<800xi32, #tpu.memory_space<vmem>>
        %dma_start3A_421 = arith.constant 0 : i32
        %dma_start3A_422 = arith.constant 0 : i32
        %dma_start3A_423 = tpu.memref_slice %arg3[%dma_start3A_421, %dma_start3A_422] : memref<1000000x32xf32, #tpu.memory_space<hbm>> -> memref<1000000x32xf32, #tpu.memory_space<hbm>>
        %dma_start3A_424 = tpu.memref_slice %arg8[%dma_start3A_413] : memref<4x!tpu.dma_semaphore, #tpu.memory_space<semaphore_mem>> -> memref<1x!tpu.dma_semaphore, #tpu.memory_space<semaphore_mem>>
        %dma_start3A_425 = tpu.memref_squeeze %dma_start3A_424 : memref<1x!tpu.dma_semaphore, #tpu.memory_space<semaphore_mem>> -> memref<!tpu.dma_semaphore, #tpu.memory_space<semaphore_mem>>
        tpu.enqueue_indirect_dma source(%dma_start3A_423 : memref<1000000x32xf32, #tpu.memory_space<hbm>>) target(%dma_start3A_417 : memref<800x32xf32, #tpu.memory_space<vmem>>) offsets(%dma_start3A_420 : memref<800xi32, #tpu.memory_space<vmem>>) semaphore(%dma_start3A_425 : memref<!tpu.dma_semaphore, #tpu.memory_space<semaphore_mem>>)
      } else {
      }
      %add3A_292 = arith.constant 2 : i32
      %add3A_293 = arith.addi %mul3A_194, %add3A_292 : i32
      %dma_wait3A_294 = arith.constant 2 : i32
      %dma_wait3A_295 = arith.constant 2 : i32
      %dma_wait3A_296 = arith.constant 2 : i32
      %dma_wait3A_297 = arith.constant 0 : i32
      %dma_wait3A_298 = arith.constant 0 : i32
      %dma_wait3A_299 = tpu.memref_slice %arg6[%dma_wait3A_295, %dma_wait3A_297, %dma_wait3A_298] : memref<4x800x32xf32, #tpu.memory_space<vmem>> -> memref<1x800x32xf32, #tpu.memory_space<vmem>>
      %dma_wait3A_300 = tpu.memref_squeeze %dma_wait3A_299 : memref<1x800x32xf32, #tpu.memory_space<vmem>> -> memref<800x32xf32, #tpu.memory_space<vmem>>
      %dma_wait3A_301 = arith.constant 0 : i32
      %dma_wait3A_302 = tpu.memref_slice %arg5[%dma_wait3A_294, %dma_wait3A_301] : memref<4x800xi32, #tpu.memory_space<vmem>> -> memref<1x800xi32, #tpu.memory_space<vmem>>
      %dma_wait3A_303 = tpu.memref_squeeze %dma_wait3A_302 : memref<1x800xi32, #tpu.memory_space<vmem>> -> memref<800xi32, #tpu.memory_space<vmem>>
      %dma_wait3A_304 = arith.constant 0 : i32
      %dma_wait3A_305 = arith.constant 0 : i32
      %dma_wait3A_306 = tpu.memref_slice %arg3[%dma_wait3A_304, %dma_wait3A_305] : memref<1000000x32xf32, #tpu.memory_space<hbm>> -> memref<1000000x32xf32, #tpu.memory_space<hbm>>
      %dma_wait3A_307 = tpu.memref_slice %arg8[%dma_wait3A_296] : memref<4x!tpu.dma_semaphore, #tpu.memory_space<semaphore_mem>> -> memref<1x!tpu.dma_semaphore, #tpu.memory_space<semaphore_mem>>
      %dma_wait3A_308 = tpu.memref_squeeze %dma_wait3A_307 : memref<1x!tpu.dma_semaphore, #tpu.memory_space<semaphore_mem>> -> memref<!tpu.dma_semaphore, #tpu.memory_space<semaphore_mem>>
      tpu.wait_indirect_dma semaphore(%dma_wait3A_308 : memref<!tpu.dma_semaphore, #tpu.memory_space<semaphore_mem>>) src(%dma_wait3A_306 : memref<1000000x32xf32, #tpu.memory_space<hbm>>) dst(%dma_wait3A_300 : memref<800x32xf32, #tpu.memory_space<vmem>>)
      %mul3A_309 = arith.constant 800 : i32
      %mul3A_310 = arith.muli %add3A_293, %mul3A_309 : i32
      %add3A_311 = arith.addi %mul3A_2, %mul3A_310 : i32
      %dma_start3A_312 = arith.constant 2 : i32
      %dma_start3A_313 = arith.constant 2 : i32
      %dma_start3A_314 = arith.constant 0 : i32
      %dma_start3A_315 = arith.constant 0 : i32
      %dma_start3A_316 = tpu.memref_slice %arg6[%dma_start3A_312, %dma_start3A_314, %dma_start3A_315] : memref<4x800x32xf32, #tpu.memory_space<vmem>> -> memref<1x800x32xf32, #tpu.memory_space<vmem>>
      %dma_start3A_317 = tpu.memref_squeeze %dma_start3A_316 : memref<1x800x32xf32, #tpu.memory_space<vmem>> -> memref<800x32xf32, #tpu.memory_space<vmem>>
      %dma_start3A_318 = arith.constant 0 : i32
      %dma_start3A_319 = tpu.memref_slice %arg4[%add3A_311, %dma_start3A_318] : memref<3276800x32xf32, #tpu.memory_space<hbm>> -> memref<800x32xf32, #tpu.memory_space<hbm>>
      %dma_start3A_320 = tpu.memref_slice %arg9[%dma_start3A_313] : memref<4x!tpu.dma_semaphore, #tpu.memory_space<semaphore_mem>> -> memref<1x!tpu.dma_semaphore, #tpu.memory_space<semaphore_mem>>
      %dma_start3A_321 = tpu.memref_squeeze %dma_start3A_320 : memref<1x!tpu.dma_semaphore, #tpu.memory_space<semaphore_mem>> -> memref<!tpu.dma_semaphore, #tpu.memory_space<semaphore_mem>>
      %dma_start3A_322 = arith.constant 0 : i32
      %dma_start3A_323 = tpu.memref_slice %arg4[%add3A_311, %dma_start3A_322] : memref<3276800x32xf32, #tpu.memory_space<hbm>> -> memref<800x32xf32, #tpu.memory_space<hbm>>
      %dma_start3A_324 = arith.constant 0 : i32
      %dma_start3A_325 = arith.constant 0 : i32
      %dma_start3A_326 = tpu.memref_slice %arg6[%dma_start3A_312, %dma_start3A_324, %dma_start3A_325] : memref<4x800x32xf32, #tpu.memory_space<vmem>> -> memref<1x800x32xf32, #tpu.memory_space<vmem>>
      %dma_start3A_327 = tpu.memref_squeeze %dma_start3A_326 : memref<1x800x32xf32, #tpu.memory_space<vmem>> -> memref<800x32xf32, #tpu.memory_space<vmem>>
      tpu.enqueue_dma source(%dma_start3A_327 : memref<800x32xf32, #tpu.memory_space<vmem>>) target(%dma_start3A_323 : memref<800x32xf32, #tpu.memory_space<hbm>>) target_semaphore(%dma_start3A_321 : memref<!tpu.dma_semaphore, #tpu.memory_space<semaphore_mem>>)
      %add3A_328 = arith.constant 4 : i32
      %add3A_329 = arith.addi %add3A_293, %add3A_328 : i32
      %lt3A_330 = arith.constant 128 : i32
      %lt3A_331 = arith.cmpi slt, %add3A_329, %lt3A_330 : i32
      %convert_element_type3A_332 = arith.extui %lt3A_331 : i1 to i32
      %cond3A_333 = arith.constant 0 : i32
      %cond3A_334 = arith.cmpi ne, %convert_element_type3A_332, %cond3A_333 : i32
      scf.if %cond3A_334 {
        %mul3A_392 = arith.constant 800 : i32
        %mul3A_393 = arith.muli %add3A_329, %mul3A_392 : i32
        %add3A_394 = arith.addi %mul3A_2, %mul3A_393 : i32
        %dma_start3A_395 = arith.constant 2 : i32
        %dma_start3A_396 = arith.constant 2 : i32
        %dma_start3A_397 = arith.constant 0 : i32
        %dma_start3A_398 = tpu.memref_slice %arg5[%dma_start3A_395, %dma_start3A_397] : memref<4x800xi32, #tpu.memory_space<vmem>> -> memref<1x800xi32, #tpu.memory_space<vmem>>
        %dma_start3A_399 = tpu.memref_squeeze %dma_start3A_398 : memref<1x800xi32, #tpu.memory_space<vmem>> -> memref<800xi32, #tpu.memory_space<vmem>>
        %dma_start3A_400 = tpu.memref_slice %arg2[%add3A_394] : memref<3276800xi32, #tpu.memory_space<hbm>> -> memref<800xi32, #tpu.memory_space<hbm>>
        %dma_start3A_401 = tpu.memref_slice %arg7[%dma_start3A_396] : memref<4x!tpu.dma_semaphore, #tpu.memory_space<semaphore_mem>> -> memref<1x!tpu.dma_semaphore, #tpu.memory_space<semaphore_mem>>
        %dma_start3A_402 = tpu.memref_squeeze %dma_start3A_401 : memref<1x!tpu.dma_semaphore, #tpu.memory_space<semaphore_mem>> -> memref<!tpu.dma_semaphore, #tpu.memory_space<semaphore_mem>>
        %dma_start3A_403 = arith.constant 0 : i32
        %dma_start3A_404 = tpu.memref_slice %arg5[%dma_start3A_395, %dma_start3A_403] : memref<4x800xi32, #tpu.memory_space<vmem>> -> memref<1x800xi32, #tpu.memory_space<vmem>>
        %dma_start3A_405 = tpu.memref_squeeze %dma_start3A_404 : memref<1x800xi32, #tpu.memory_space<vmem>> -> memref<800xi32, #tpu.memory_space<vmem>>
        %dma_start3A_406 = tpu.memref_slice %arg2[%add3A_394] : memref<3276800xi32, #tpu.memory_space<hbm>> -> memref<800xi32, #tpu.memory_space<hbm>>
        tpu.enqueue_dma source(%dma_start3A_406 : memref<800xi32, #tpu.memory_space<hbm>>) target(%dma_start3A_405 : memref<800xi32, #tpu.memory_space<vmem>>) target_semaphore(%dma_start3A_402 : memref<!tpu.dma_semaphore, #tpu.memory_space<semaphore_mem>>)
      } else {
      }
      %add3A_335 = arith.constant 2 : i32
      %add3A_336 = arith.addi %add3A_293, %add3A_335 : i32
      %lt3A_337 = arith.constant 128 : i32
      %lt3A_338 = arith.cmpi slt, %add3A_336, %lt3A_337 : i32
      %convert_element_type3A_339 = arith.extui %lt3A_338 : i1 to i32
      %cond3A_340 = arith.constant 0 : i32
      %cond3A_341 = arith.cmpi ne, %convert_element_type3A_339, %cond3A_340 : i32
      scf.if %cond3A_341 {
        %ge3A = arith.constant 4 : i32
        %ge3A_392 = arith.cmpi sge, %add3A_336, %ge3A : i32
        %convert_element_type3A_393 = arith.extui %ge3A_392 : i1 to i32
        %cond3A_394 = arith.constant 0 : i32
        %cond3A_395 = arith.cmpi ne, %convert_element_type3A_393, %cond3A_394 : i32
        scf.if %cond3A_395 {
          %sub3A = arith.constant 4 : i32
          %sub3A_426 = arith.subi %add3A_336, %sub3A : i32
          %mul3A_427 = arith.constant 800 : i32
          %mul3A_428 = arith.muli %sub3A_426, %mul3A_427 : i32
          %add3A_429 = arith.addi %mul3A_2, %mul3A_428 : i32
          %dma_wait3A_430 = arith.constant 0 : i32
          %dma_wait3A_431 = arith.constant 0 : i32
          %dma_wait3A_432 = arith.constant 0 : i32
          %dma_wait3A_433 = arith.constant 0 : i32
          %dma_wait3A_434 = tpu.memref_slice %arg6[%dma_wait3A_430, %dma_wait3A_432, %dma_wait3A_433] : memref<4x800x32xf32, #tpu.memory_space<vmem>> -> memref<1x800x32xf32, #tpu.memory_space<vmem>>
          %dma_wait3A_435 = tpu.memref_squeeze %dma_wait3A_434 : memref<1x800x32xf32, #tpu.memory_space<vmem>> -> memref<800x32xf32, #tpu.memory_space<vmem>>
          %dma_wait3A_436 = arith.constant 0 : i32
          %dma_wait3A_437 = tpu.memref_slice %arg4[%add3A_429, %dma_wait3A_436] : memref<3276800x32xf32, #tpu.memory_space<hbm>> -> memref<800x32xf32, #tpu.memory_space<hbm>>
          %dma_wait3A_438 = tpu.memref_slice %arg9[%dma_wait3A_431] : memref<4x!tpu.dma_semaphore, #tpu.memory_space<semaphore_mem>> -> memref<1x!tpu.dma_semaphore, #tpu.memory_space<semaphore_mem>>
          %dma_wait3A_439 = tpu.memref_squeeze %dma_wait3A_438 : memref<1x!tpu.dma_semaphore, #tpu.memory_space<semaphore_mem>> -> memref<!tpu.dma_semaphore, #tpu.memory_space<semaphore_mem>>
          %dma_wait3A_440 = arith.constant 0 : i32
          %dma_wait3A_441 = tpu.memref_slice %arg4[%add3A_429, %dma_wait3A_440] : memref<3276800x32xf32, #tpu.memory_space<hbm>> -> memref<800x32xf32, #tpu.memory_space<hbm>>
          %dma_wait3A_442 = arith.constant 0 : i32
          %dma_wait3A_443 = arith.constant 0 : i32
          %dma_wait3A_444 = tpu.memref_slice %arg6[%dma_wait3A_430, %dma_wait3A_442, %dma_wait3A_443] : memref<4x800x32xf32, #tpu.memory_space<vmem>> -> memref<1x800x32xf32, #tpu.memory_space<vmem>>
          %dma_wait3A_445 = tpu.memref_squeeze %dma_wait3A_444 : memref<1x800x32xf32, #tpu.memory_space<vmem>> -> memref<800x32xf32, #tpu.memory_space<vmem>>
          tpu.wait_dma2 semaphore(%dma_wait3A_439 : memref<!tpu.dma_semaphore, #tpu.memory_space<semaphore_mem>>) src(%dma_wait3A_445 : memref<800x32xf32, #tpu.memory_space<vmem>>) dst(%dma_wait3A_441 : memref<800x32xf32, #tpu.memory_space<hbm>>)
        } else {
        }
        %mul3A_396 = arith.constant 800 : i32
        %mul3A_397 = arith.muli %add3A_336, %mul3A_396 : i32
        %add3A_398 = arith.addi %mul3A_2, %mul3A_397 : i32
        %dma_wait3A_399 = arith.constant 0 : i32
        %dma_wait3A_400 = arith.constant 0 : i32
        %dma_wait3A_401 = arith.constant 0 : i32
        %dma_wait3A_402 = tpu.memref_slice %arg5[%dma_wait3A_399, %dma_wait3A_401] : memref<4x800xi32, #tpu.memory_space<vmem>> -> memref<1x800xi32, #tpu.memory_space<vmem>>
        %dma_wait3A_403 = tpu.memref_squeeze %dma_wait3A_402 : memref<1x800xi32, #tpu.memory_space<vmem>> -> memref<800xi32, #tpu.memory_space<vmem>>
        %dma_wait3A_404 = tpu.memref_slice %arg2[%add3A_398] : memref<3276800xi32, #tpu.memory_space<hbm>> -> memref<800xi32, #tpu.memory_space<hbm>>
        %dma_wait3A_405 = tpu.memref_slice %arg7[%dma_wait3A_400] : memref<4x!tpu.dma_semaphore, #tpu.memory_space<semaphore_mem>> -> memref<1x!tpu.dma_semaphore, #tpu.memory_space<semaphore_mem>>
        %dma_wait3A_406 = tpu.memref_squeeze %dma_wait3A_405 : memref<1x!tpu.dma_semaphore, #tpu.memory_space<semaphore_mem>> -> memref<!tpu.dma_semaphore, #tpu.memory_space<semaphore_mem>>
        %dma_wait3A_407 = arith.constant 0 : i32
        %dma_wait3A_408 = tpu.memref_slice %arg5[%dma_wait3A_399, %dma_wait3A_407] : memref<4x800xi32, #tpu.memory_space<vmem>> -> memref<1x800xi32, #tpu.memory_space<vmem>>
        %dma_wait3A_409 = tpu.memref_squeeze %dma_wait3A_408 : memref<1x800xi32, #tpu.memory_space<vmem>> -> memref<800xi32, #tpu.memory_space<vmem>>
        %dma_wait3A_410 = tpu.memref_slice %arg2[%add3A_398] : memref<3276800xi32, #tpu.memory_space<hbm>> -> memref<800xi32, #tpu.memory_space<hbm>>
        tpu.wait_dma2 semaphore(%dma_wait3A_406 : memref<!tpu.dma_semaphore, #tpu.memory_space<semaphore_mem>>) src(%dma_wait3A_410 : memref<800xi32, #tpu.memory_space<hbm>>) dst(%dma_wait3A_409 : memref<800xi32, #tpu.memory_space<vmem>>)
        %dma_start3A_411 = arith.constant 0 : i32
        %dma_start3A_412 = arith.constant 0 : i32
        %dma_start3A_413 = arith.constant 0 : i32
        %dma_start3A_414 = arith.constant 0 : i32
        %dma_start3A_415 = arith.constant 0 : i32
        %dma_start3A_416 = tpu.memref_slice %arg6[%dma_start3A_412, %dma_start3A_414, %dma_start3A_415] : memref<4x800x32xf32, #tpu.memory_space<vmem>> -> memref<1x800x32xf32, #tpu.memory_space<vmem>>
        %dma_start3A_417 = tpu.memref_squeeze %dma_start3A_416 : memref<1x800x32xf32, #tpu.memory_space<vmem>> -> memref<800x32xf32, #tpu.memory_space<vmem>>
        %dma_start3A_418 = arith.constant 0 : i32
        %dma_start3A_419 = tpu.memref_slice %arg5[%dma_start3A_411, %dma_start3A_418] : memref<4x800xi32, #tpu.memory_space<vmem>> -> memref<1x800xi32, #tpu.memory_space<vmem>>
        %dma_start3A_420 = tpu.memref_squeeze %dma_start3A_419 : memref<1x800xi32, #tpu.memory_space<vmem>> -> memref<800xi32, #tpu.memory_space<vmem>>
        %dma_start3A_421 = arith.constant 0 : i32
        %dma_start3A_422 = arith.constant 0 : i32
        %dma_start3A_423 = tpu.memref_slice %arg3[%dma_start3A_421, %dma_start3A_422] : memref<1000000x32xf32, #tpu.memory_space<hbm>> -> memref<1000000x32xf32, #tpu.memory_space<hbm>>
        %dma_start3A_424 = tpu.memref_slice %arg8[%dma_start3A_413] : memref<4x!tpu.dma_semaphore, #tpu.memory_space<semaphore_mem>> -> memref<1x!tpu.dma_semaphore, #tpu.memory_space<semaphore_mem>>
        %dma_start3A_425 = tpu.memref_squeeze %dma_start3A_424 : memref<1x!tpu.dma_semaphore, #tpu.memory_space<semaphore_mem>> -> memref<!tpu.dma_semaphore, #tpu.memory_space<semaphore_mem>>
        tpu.enqueue_indirect_dma source(%dma_start3A_423 : memref<1000000x32xf32, #tpu.memory_space<hbm>>) target(%dma_start3A_417 : memref<800x32xf32, #tpu.memory_space<vmem>>) offsets(%dma_start3A_420 : memref<800xi32, #tpu.memory_space<vmem>>) semaphore(%dma_start3A_425 : memref<!tpu.dma_semaphore, #tpu.memory_space<semaphore_mem>>)
      } else {
      }
      %add3A_342 = arith.constant 3 : i32
      %add3A_343 = arith.addi %mul3A_194, %add3A_342 : i32
      %dma_wait3A_344 = arith.constant 3 : i32
      %dma_wait3A_345 = arith.constant 3 : i32
      %dma_wait3A_346 = arith.constant 3 : i32
      %dma_wait3A_347 = arith.constant 0 : i32
      %dma_wait3A_348 = arith.constant 0 : i32
      %dma_wait3A_349 = tpu.memref_slice %arg6[%dma_wait3A_345, %dma_wait3A_347, %dma_wait3A_348] : memref<4x800x32xf32, #tpu.memory_space<vmem>> -> memref<1x800x32xf32, #tpu.memory_space<vmem>>
      %dma_wait3A_350 = tpu.memref_squeeze %dma_wait3A_349 : memref<1x800x32xf32, #tpu.memory_space<vmem>> -> memref<800x32xf32, #tpu.memory_space<vmem>>
      %dma_wait3A_351 = arith.constant 0 : i32
      %dma_wait3A_352 = tpu.memref_slice %arg5[%dma_wait3A_344, %dma_wait3A_351] : memref<4x800xi32, #tpu.memory_space<vmem>> -> memref<1x800xi32, #tpu.memory_space<vmem>>
      %dma_wait3A_353 = tpu.memref_squeeze %dma_wait3A_352 : memref<1x800xi32, #tpu.memory_space<vmem>> -> memref<800xi32, #tpu.memory_space<vmem>>
      %dma_wait3A_354 = arith.constant 0 : i32
      %dma_wait3A_355 = arith.constant 0 : i32
      %dma_wait3A_356 = tpu.memref_slice %arg3[%dma_wait3A_354, %dma_wait3A_355] : memref<1000000x32xf32, #tpu.memory_space<hbm>> -> memref<1000000x32xf32, #tpu.memory_space<hbm>>
      %dma_wait3A_357 = tpu.memref_slice %arg8[%dma_wait3A_346] : memref<4x!tpu.dma_semaphore, #tpu.memory_space<semaphore_mem>> -> memref<1x!tpu.dma_semaphore, #tpu.memory_space<semaphore_mem>>
      %dma_wait3A_358 = tpu.memref_squeeze %dma_wait3A_357 : memref<1x!tpu.dma_semaphore, #tpu.memory_space<semaphore_mem>> -> memref<!tpu.dma_semaphore, #tpu.memory_space<semaphore_mem>>
      tpu.wait_indirect_dma semaphore(%dma_wait3A_358 : memref<!tpu.dma_semaphore, #tpu.memory_space<semaphore_mem>>) src(%dma_wait3A_356 : memref<1000000x32xf32, #tpu.memory_space<hbm>>) dst(%dma_wait3A_350 : memref<800x32xf32, #tpu.memory_space<vmem>>)
      %mul3A_359 = arith.constant 800 : i32
      %mul3A_360 = arith.muli %add3A_343, %mul3A_359 : i32
      %add3A_361 = arith.addi %mul3A_2, %mul3A_360 : i32
      %dma_start3A_362 = arith.constant 3 : i32
      %dma_start3A_363 = arith.constant 3 : i32
      %dma_start3A_364 = arith.constant 0 : i32
      %dma_start3A_365 = arith.constant 0 : i32
      %dma_start3A_366 = tpu.memref_slice %arg6[%dma_start3A_362, %dma_start3A_364, %dma_start3A_365] : memref<4x800x32xf32, #tpu.memory_space<vmem>> -> memref<1x800x32xf32, #tpu.memory_space<vmem>>
      %dma_start3A_367 = tpu.memref_squeeze %dma_start3A_366 : memref<1x800x32xf32, #tpu.memory_space<vmem>> -> memref<800x32xf32, #tpu.memory_space<vmem>>
      %dma_start3A_368 = arith.constant 0 : i32
      %dma_start3A_369 = tpu.memref_slice %arg4[%add3A_361, %dma_start3A_368] : memref<3276800x32xf32, #tpu.memory_space<hbm>> -> memref<800x32xf32, #tpu.memory_space<hbm>>
      %dma_start3A_370 = tpu.memref_slice %arg9[%dma_start3A_363] : memref<4x!tpu.dma_semaphore, #tpu.memory_space<semaphore_mem>> -> memref<1x!tpu.dma_semaphore, #tpu.memory_space<semaphore_mem>>
      %dma_start3A_371 = tpu.memref_squeeze %dma_start3A_370 : memref<1x!tpu.dma_semaphore, #tpu.memory_space<semaphore_mem>> -> memref<!tpu.dma_semaphore, #tpu.memory_space<semaphore_mem>>
      %dma_start3A_372 = arith.constant 0 : i32
      %dma_start3A_373 = tpu.memref_slice %arg4[%add3A_361, %dma_start3A_372] : memref<3276800x32xf32, #tpu.memory_space<hbm>> -> memref<800x32xf32, #tpu.memory_space<hbm>>
      %dma_start3A_374 = arith.constant 0 : i32
      %dma_start3A_375 = arith.constant 0 : i32
      %dma_start3A_376 = tpu.memref_slice %arg6[%dma_start3A_362, %dma_start3A_374, %dma_start3A_375] : memref<4x800x32xf32, #tpu.memory_space<vmem>> -> memref<1x800x32xf32, #tpu.memory_space<vmem>>
      %dma_start3A_377 = tpu.memref_squeeze %dma_start3A_376 : memref<1x800x32xf32, #tpu.memory_space<vmem>> -> memref<800x32xf32, #tpu.memory_space<vmem>>
      tpu.enqueue_dma source(%dma_start3A_377 : memref<800x32xf32, #tpu.memory_space<vmem>>) target(%dma_start3A_373 : memref<800x32xf32, #tpu.memory_space<hbm>>) target_semaphore(%dma_start3A_371 : memref<!tpu.dma_semaphore, #tpu.memory_space<semaphore_mem>>)
      %add3A_378 = arith.constant 4 : i32
      %add3A_379 = arith.addi %add3A_343, %add3A_378 : i32
      %lt3A_380 = arith.constant 128 : i32
      %lt3A_381 = arith.cmpi slt, %add3A_379, %lt3A_380 : i32
      %convert_element_type3A_382 = arith.extui %lt3A_381 : i1 to i32
      %cond3A_383 = arith.constant 0 : i32
      %cond3A_384 = arith.cmpi ne, %convert_element_type3A_382, %cond3A_383 : i32
      scf.if %cond3A_384 {
        %mul3A_392 = arith.constant 800 : i32
        %mul3A_393 = arith.muli %add3A_379, %mul3A_392 : i32
        %add3A_394 = arith.addi %mul3A_2, %mul3A_393 : i32
        %dma_start3A_395 = arith.constant 3 : i32
        %dma_start3A_396 = arith.constant 3 : i32
        %dma_start3A_397 = arith.constant 0 : i32
        %dma_start3A_398 = tpu.memref_slice %arg5[%dma_start3A_395, %dma_start3A_397] : memref<4x800xi32, #tpu.memory_space<vmem>> -> memref<1x800xi32, #tpu.memory_space<vmem>>
        %dma_start3A_399 = tpu.memref_squeeze %dma_start3A_398 : memref<1x800xi32, #tpu.memory_space<vmem>> -> memref<800xi32, #tpu.memory_space<vmem>>
        %dma_start3A_400 = tpu.memref_slice %arg2[%add3A_394] : memref<3276800xi32, #tpu.memory_space<hbm>> -> memref<800xi32, #tpu.memory_space<hbm>>
        %dma_start3A_401 = tpu.memref_slice %arg7[%dma_start3A_396] : memref<4x!tpu.dma_semaphore, #tpu.memory_space<semaphore_mem>> -> memref<1x!tpu.dma_semaphore, #tpu.memory_space<semaphore_mem>>
        %dma_start3A_402 = tpu.memref_squeeze %dma_start3A_401 : memref<1x!tpu.dma_semaphore, #tpu.memory_space<semaphore_mem>> -> memref<!tpu.dma_semaphore, #tpu.memory_space<semaphore_mem>>
        %dma_start3A_403 = arith.constant 0 : i32
        %dma_start3A_404 = tpu.memref_slice %arg5[%dma_start3A_395, %dma_start3A_403] : memref<4x800xi32, #tpu.memory_space<vmem>> -> memref<1x800xi32, #tpu.memory_space<vmem>>
        %dma_start3A_405 = tpu.memref_squeeze %dma_start3A_404 : memref<1x800xi32, #tpu.memory_space<vmem>> -> memref<800xi32, #tpu.memory_space<vmem>>
        %dma_start3A_406 = tpu.memref_slice %arg2[%add3A_394] : memref<3276800xi32, #tpu.memory_space<hbm>> -> memref<800xi32, #tpu.memory_space<hbm>>
        tpu.enqueue_dma source(%dma_start3A_406 : memref<800xi32, #tpu.memory_space<hbm>>) target(%dma_start3A_405 : memref<800xi32, #tpu.memory_space<vmem>>) target_semaphore(%dma_start3A_402 : memref<!tpu.dma_semaphore, #tpu.memory_space<semaphore_mem>>)
      } else {
      }
      %add3A_385 = arith.constant 2 : i32
      %add3A_386 = arith.addi %add3A_343, %add3A_385 : i32
      %lt3A_387 = arith.constant 128 : i32
      %lt3A_388 = arith.cmpi slt, %add3A_386, %lt3A_387 : i32
      %convert_element_type3A_389 = arith.extui %lt3A_388 : i1 to i32
      %cond3A_390 = arith.constant 0 : i32
      %cond3A_391 = arith.cmpi ne, %convert_element_type3A_389, %cond3A_390 : i32
      scf.if %cond3A_391 {
        %ge3A = arith.constant 4 : i32
        %ge3A_392 = arith.cmpi sge, %add3A_386, %ge3A : i32
        %convert_element_type3A_393 = arith.extui %ge3A_392 : i1 to i32
        %cond3A_394 = arith.constant 0 : i32
        %cond3A_395 = arith.cmpi ne, %convert_element_type3A_393, %cond3A_394 : i32
        scf.if %cond3A_395 {
          %sub3A = arith.constant 4 : i32
          %sub3A_426 = arith.subi %add3A_386, %sub3A : i32
          %mul3A_427 = arith.constant 800 : i32
          %mul3A_428 = arith.muli %sub3A_426, %mul3A_427 : i32
          %add3A_429 = arith.addi %mul3A_2, %mul3A_428 : i32
          %dma_wait3A_430 = arith.constant 1 : i32
          %dma_wait3A_431 = arith.constant 1 : i32
          %dma_wait3A_432 = arith.constant 0 : i32
          %dma_wait3A_433 = arith.constant 0 : i32
          %dma_wait3A_434 = tpu.memref_slice %arg6[%dma_wait3A_430, %dma_wait3A_432, %dma_wait3A_433] : memref<4x800x32xf32, #tpu.memory_space<vmem>> -> memref<1x800x32xf32, #tpu.memory_space<vmem>>
          %dma_wait3A_435 = tpu.memref_squeeze %dma_wait3A_434 : memref<1x800x32xf32, #tpu.memory_space<vmem>> -> memref<800x32xf32, #tpu.memory_space<vmem>>
          %dma_wait3A_436 = arith.constant 0 : i32
          %dma_wait3A_437 = tpu.memref_slice %arg4[%add3A_429, %dma_wait3A_436] : memref<3276800x32xf32, #tpu.memory_space<hbm>> -> memref<800x32xf32, #tpu.memory_space<hbm>>
          %dma_wait3A_438 = tpu.memref_slice %arg9[%dma_wait3A_431] : memref<4x!tpu.dma_semaphore, #tpu.memory_space<semaphore_mem>> -> memref<1x!tpu.dma_semaphore, #tpu.memory_space<semaphore_mem>>
          %dma_wait3A_439 = tpu.memref_squeeze %dma_wait3A_438 : memref<1x!tpu.dma_semaphore, #tpu.memory_space<semaphore_mem>> -> memref<!tpu.dma_semaphore, #tpu.memory_space<semaphore_mem>>
          %dma_wait3A_440 = arith.constant 0 : i32
          %dma_wait3A_441 = tpu.memref_slice %arg4[%add3A_429, %dma_wait3A_440] : memref<3276800x32xf32, #tpu.memory_space<hbm>> -> memref<800x32xf32, #tpu.memory_space<hbm>>
          %dma_wait3A_442 = arith.constant 0 : i32
          %dma_wait3A_443 = arith.constant 0 : i32
          %dma_wait3A_444 = tpu.memref_slice %arg6[%dma_wait3A_430, %dma_wait3A_442, %dma_wait3A_443] : memref<4x800x32xf32, #tpu.memory_space<vmem>> -> memref<1x800x32xf32, #tpu.memory_space<vmem>>
          %dma_wait3A_445 = tpu.memref_squeeze %dma_wait3A_444 : memref<1x800x32xf32, #tpu.memory_space<vmem>> -> memref<800x32xf32, #tpu.memory_space<vmem>>
          tpu.wait_dma2 semaphore(%dma_wait3A_439 : memref<!tpu.dma_semaphore, #tpu.memory_space<semaphore_mem>>) src(%dma_wait3A_445 : memref<800x32xf32, #tpu.memory_space<vmem>>) dst(%dma_wait3A_441 : memref<800x32xf32, #tpu.memory_space<hbm>>)
        } else {
        }
        %mul3A_396 = arith.constant 800 : i32
        %mul3A_397 = arith.muli %add3A_386, %mul3A_396 : i32
        %add3A_398 = arith.addi %mul3A_2, %mul3A_397 : i32
        %dma_wait3A_399 = arith.constant 1 : i32
        %dma_wait3A_400 = arith.constant 1 : i32
        %dma_wait3A_401 = arith.constant 0 : i32
        %dma_wait3A_402 = tpu.memref_slice %arg5[%dma_wait3A_399, %dma_wait3A_401] : memref<4x800xi32, #tpu.memory_space<vmem>> -> memref<1x800xi32, #tpu.memory_space<vmem>>
        %dma_wait3A_403 = tpu.memref_squeeze %dma_wait3A_402 : memref<1x800xi32, #tpu.memory_space<vmem>> -> memref<800xi32, #tpu.memory_space<vmem>>
        %dma_wait3A_404 = tpu.memref_slice %arg2[%add3A_398] : memref<3276800xi32, #tpu.memory_space<hbm>> -> memref<800xi32, #tpu.memory_space<hbm>>
        %dma_wait3A_405 = tpu.memref_slice %arg7[%dma_wait3A_400] : memref<4x!tpu.dma_semaphore, #tpu.memory_space<semaphore_mem>> -> memref<1x!tpu.dma_semaphore, #tpu.memory_space<semaphore_mem>>
        %dma_wait3A_406 = tpu.memref_squeeze %dma_wait3A_405 : memref<1x!tpu.dma_semaphore, #tpu.memory_space<semaphore_mem>> -> memref<!tpu.dma_semaphore, #tpu.memory_space<semaphore_mem>>
        %dma_wait3A_407 = arith.constant 0 : i32
        %dma_wait3A_408 = tpu.memref_slice %arg5[%dma_wait3A_399, %dma_wait3A_407] : memref<4x800xi32, #tpu.memory_space<vmem>> -> memref<1x800xi32, #tpu.memory_space<vmem>>
        %dma_wait3A_409 = tpu.memref_squeeze %dma_wait3A_408 : memref<1x800xi32, #tpu.memory_space<vmem>> -> memref<800xi32, #tpu.memory_space<vmem>>
        %dma_wait3A_410 = tpu.memref_slice %arg2[%add3A_398] : memref<3276800xi32, #tpu.memory_space<hbm>> -> memref<800xi32, #tpu.memory_space<hbm>>
        tpu.wait_dma2 semaphore(%dma_wait3A_406 : memref<!tpu.dma_semaphore, #tpu.memory_space<semaphore_mem>>) src(%dma_wait3A_410 : memref<800xi32, #tpu.memory_space<hbm>>) dst(%dma_wait3A_409 : memref<800xi32, #tpu.memory_space<vmem>>)
        %dma_start3A_411 = arith.constant 1 : i32
        %dma_start3A_412 = arith.constant 1 : i32
        %dma_start3A_413 = arith.constant 1 : i32
        %dma_start3A_414 = arith.constant 0 : i32
        %dma_start3A_415 = arith.constant 0 : i32
        %dma_start3A_416 = tpu.memref_slice %arg6[%dma_start3A_412, %dma_start3A_414, %dma_start3A_415] : memref<4x800x32xf32, #tpu.memory_space<vmem>> -> memref<1x800x32xf32, #tpu.memory_space<vmem>>
        %dma_start3A_417 = tpu.memref_squeeze %dma_start3A_416 : memref<1x800x32xf32, #tpu.memory_space<vmem>> -> memref<800x32xf32, #tpu.memory_space<vmem>>
        %dma_start3A_418 = arith.constant 0 : i32
        %dma_start3A_419 = tpu.memref_slice %arg5[%dma_start3A_411, %dma_start3A_418] : memref<4x800xi32, #tpu.memory_space<vmem>> -> memref<1x800xi32, #tpu.memory_space<vmem>>
        %dma_start3A_420 = tpu.memref_squeeze %dma_start3A_419 : memref<1x800xi32, #tpu.memory_space<vmem>> -> memref<800xi32, #tpu.memory_space<vmem>>
        %dma_start3A_421 = arith.constant 0 : i32
        %dma_start3A_422 = arith.constant 0 : i32
        %dma_start3A_423 = tpu.memref_slice %arg3[%dma_start3A_421, %dma_start3A_422] : memref<1000000x32xf32, #tpu.memory_space<hbm>> -> memref<1000000x32xf32, #tpu.memory_space<hbm>>
        %dma_start3A_424 = tpu.memref_slice %arg8[%dma_start3A_413] : memref<4x!tpu.dma_semaphore, #tpu.memory_space<semaphore_mem>> -> memref<1x!tpu.dma_semaphore, #tpu.memory_space<semaphore_mem>>
        %dma_start3A_425 = tpu.memref_squeeze %dma_start3A_424 : memref<1x!tpu.dma_semaphore, #tpu.memory_space<semaphore_mem>> -> memref<!tpu.dma_semaphore, #tpu.memory_space<semaphore_mem>>
        tpu.enqueue_indirect_dma source(%dma_start3A_423 : memref<1000000x32xf32, #tpu.memory_space<hbm>>) target(%dma_start3A_417 : memref<800x32xf32, #tpu.memory_space<vmem>>) offsets(%dma_start3A_420 : memref<800xi32, #tpu.memory_space<vmem>>) semaphore(%dma_start3A_425 : memref<!tpu.dma_semaphore, #tpu.memory_space<semaphore_mem>>)
      } else {
      }
    }
    %scan3A_119 = arith.constant 32 : i32
    %add3A_120 = arith.constant 99200 : i32
    %add3A_121 = arith.addi %mul3A_2, %add3A_120 : i32
    %dma_wait3A_122 = arith.constant 0 : i32
    %dma_wait3A_123 = arith.constant 0 : i32
    %dma_wait3A_124 = arith.constant 0 : i32
    %dma_wait3A_125 = arith.constant 0 : i32
    %dma_wait3A_126 = tpu.memref_slice %arg6[%dma_wait3A_122, %dma_wait3A_124, %dma_wait3A_125] : memref<4x800x32xf32, #tpu.memory_space<vmem>> -> memref<1x800x32xf32, #tpu.memory_space<vmem>>
    %dma_wait3A_127 = tpu.memref_squeeze %dma_wait3A_126 : memref<1x800x32xf32, #tpu.memory_space<vmem>> -> memref<800x32xf32, #tpu.memory_space<vmem>>
    %dma_wait3A_128 = arith.constant 0 : i32
    %dma_wait3A_129 = tpu.memref_slice %arg4[%add3A_121, %dma_wait3A_128] : memref<3276800x32xf32, #tpu.memory_space<hbm>> -> memref<800x32xf32, #tpu.memory_space<hbm>>
    %dma_wait3A_130 = tpu.memref_slice %arg9[%dma_wait3A_123] : memref<4x!tpu.dma_semaphore, #tpu.memory_space<semaphore_mem>> -> memref<1x!tpu.dma_semaphore, #tpu.memory_space<semaphore_mem>>
    %dma_wait3A_131 = tpu.memref_squeeze %dma_wait3A_130 : memref<1x!tpu.dma_semaphore, #tpu.memory_space<semaphore_mem>> -> memref<!tpu.dma_semaphore, #tpu.memory_space<semaphore_mem>>
    %dma_wait3A_132 = arith.constant 0 : i32
    %dma_wait3A_133 = tpu.memref_slice %arg4[%add3A_121, %dma_wait3A_132] : memref<3276800x32xf32, #tpu.memory_space<hbm>> -> memref<800x32xf32, #tpu.memory_space<hbm>>
    %dma_wait3A_134 = arith.constant 0 : i32
    %dma_wait3A_135 = arith.constant 0 : i32
    %dma_wait3A_136 = tpu.memref_slice %arg6[%dma_wait3A_122, %dma_wait3A_134, %dma_wait3A_135] : memref<4x800x32xf32, #tpu.memory_space<vmem>> -> memref<1x800x32xf32, #tpu.memory_space<vmem>>
    %dma_wait3A_137 = tpu.memref_squeeze %dma_wait3A_136 : memref<1x800x32xf32, #tpu.memory_space<vmem>> -> memref<800x32xf32, #tpu.memory_space<vmem>>
    tpu.wait_dma2 semaphore(%dma_wait3A_131 : memref<!tpu.dma_semaphore, #tpu.memory_space<semaphore_mem>>) src(%dma_wait3A_137 : memref<800x32xf32, #tpu.memory_space<vmem>>) dst(%dma_wait3A_133 : memref<800x32xf32, #tpu.memory_space<hbm>>)
    %add3A_138 = arith.constant 100000 : i32
    %add3A_139 = arith.addi %mul3A_2, %add3A_138 : i32
    %dma_wait3A_140 = arith.constant 1 : i32
    %dma_wait3A_141 = arith.constant 1 : i32
    %dma_wait3A_142 = arith.constant 0 : i32
    %dma_wait3A_143 = arith.constant 0 : i32
    %dma_wait3A_144 = tpu.memref_slice %arg6[%dma_wait3A_140, %dma_wait3A_142, %dma_wait3A_143] : memref<4x800x32xf32, #tpu.memory_space<vmem>> -> memref<1x800x32xf32, #tpu.memory_space<vmem>>
    %dma_wait3A_145 = tpu.memref_squeeze %dma_wait3A_144 : memref<1x800x32xf32, #tpu.memory_space<vmem>> -> memref<800x32xf32, #tpu.memory_space<vmem>>
    %dma_wait3A_146 = arith.constant 0 : i32
    %dma_wait3A_147 = tpu.memref_slice %arg4[%add3A_139, %dma_wait3A_146] : memref<3276800x32xf32, #tpu.memory_space<hbm>> -> memref<800x32xf32, #tpu.memory_space<hbm>>
    %dma_wait3A_148 = tpu.memref_slice %arg9[%dma_wait3A_141] : memref<4x!tpu.dma_semaphore, #tpu.memory_space<semaphore_mem>> -> memref<1x!tpu.dma_semaphore, #tpu.memory_space<semaphore_mem>>
    %dma_wait3A_149 = tpu.memref_squeeze %dma_wait3A_148 : memref<1x!tpu.dma_semaphore, #tpu.memory_space<semaphore_mem>> -> memref<!tpu.dma_semaphore, #tpu.memory_space<semaphore_mem>>
    %dma_wait3A_150 = arith.constant 0 : i32
    %dma_wait3A_151 = tpu.memref_slice %arg4[%add3A_139, %dma_wait3A_150] : memref<3276800x32xf32, #tpu.memory_space<hbm>> -> memref<800x32xf32, #tpu.memory_space<hbm>>
    %dma_wait3A_152 = arith.constant 0 : i32
    %dma_wait3A_153 = arith.constant 0 : i32
    %dma_wait3A_154 = tpu.memref_slice %arg6[%dma_wait3A_140, %dma_wait3A_152, %dma_wait3A_153] : memref<4x800x32xf32, #tpu.memory_space<vmem>> -> memref<1x800x32xf32, #tpu.memory_space<vmem>>
    %dma_wait3A_155 = tpu.memref_squeeze %dma_wait3A_154 : memref<1x800x32xf32, #tpu.memory_space<vmem>> -> memref<800x32xf32, #tpu.memory_space<vmem>>
    tpu.wait_dma2 semaphore(%dma_wait3A_149 : memref<!tpu.dma_semaphore, #tpu.memory_space<semaphore_mem>>) src(%dma_wait3A_155 : memref<800x32xf32, #tpu.memory_space<vmem>>) dst(%dma_wait3A_151 : memref<800x32xf32, #tpu.memory_space<hbm>>)
    %add3A_156 = arith.constant 100800 : i32
    %add3A_157 = arith.addi %mul3A_2, %add3A_156 : i32
    %dma_wait3A_158 = arith.constant 2 : i32
    %dma_wait3A_159 = arith.constant 2 : i32
    %dma_wait3A_160 = arith.constant 0 : i32
    %dma_wait3A_161 = arith.constant 0 : i32
    %dma_wait3A_162 = tpu.memref_slice %arg6[%dma_wait3A_158, %dma_wait3A_160, %dma_wait3A_161] : memref<4x800x32xf32, #tpu.memory_space<vmem>> -> memref<1x800x32xf32, #tpu.memory_space<vmem>>
    %dma_wait3A_163 = tpu.memref_squeeze %dma_wait3A_162 : memref<1x800x32xf32, #tpu.memory_space<vmem>> -> memref<800x32xf32, #tpu.memory_space<vmem>>
    %dma_wait3A_164 = arith.constant 0 : i32
    %dma_wait3A_165 = tpu.memref_slice %arg4[%add3A_157, %dma_wait3A_164] : memref<3276800x32xf32, #tpu.memory_space<hbm>> -> memref<800x32xf32, #tpu.memory_space<hbm>>
    %dma_wait3A_166 = tpu.memref_slice %arg9[%dma_wait3A_159] : memref<4x!tpu.dma_semaphore, #tpu.memory_space<semaphore_mem>> -> memref<1x!tpu.dma_semaphore, #tpu.memory_space<semaphore_mem>>
    %dma_wait3A_167 = tpu.memref_squeeze %dma_wait3A_166 : memref<1x!tpu.dma_semaphore, #tpu.memory_space<semaphore_mem>> -> memref<!tpu.dma_semaphore, #tpu.memory_space<semaphore_mem>>
    %dma_wait3A_168 = arith.constant 0 : i32
    %dma_wait3A_169 = tpu.memref_slice %arg4[%add3A_157, %dma_wait3A_168] : memref<3276800x32xf32, #tpu.memory_space<hbm>> -> memref<800x32xf32, #tpu.memory_space<hbm>>
    %dma_wait3A_170 = arith.constant 0 : i32
    %dma_wait3A_171 = arith.constant 0 : i32
    %dma_wait3A_172 = tpu.memref_slice %arg6[%dma_wait3A_158, %dma_wait3A_170, %dma_wait3A_171] : memref<4x800x32xf32, #tpu.memory_space<vmem>> -> memref<1x800x32xf32, #tpu.memory_space<vmem>>
    %dma_wait3A_173 = tpu.memref_squeeze %dma_wait3A_172 : memref<1x800x32xf32, #tpu.memory_space<vmem>> -> memref<800x32xf32, #tpu.memory_space<vmem>>
    tpu.wait_dma2 semaphore(%dma_wait3A_167 : memref<!tpu.dma_semaphore, #tpu.memory_space<semaphore_mem>>) src(%dma_wait3A_173 : memref<800x32xf32, #tpu.memory_space<vmem>>) dst(%dma_wait3A_169 : memref<800x32xf32, #tpu.memory_space<hbm>>)
    %add3A_174 = arith.constant 101600 : i32
    %add3A_175 = arith.addi %mul3A_2, %add3A_174 : i32
    %dma_wait3A_176 = arith.constant 3 : i32
    %dma_wait3A_177 = arith.constant 3 : i32
    %dma_wait3A_178 = arith.constant 0 : i32
    %dma_wait3A_179 = arith.constant 0 : i32
    %dma_wait3A_180 = tpu.memref_slice %arg6[%dma_wait3A_176, %dma_wait3A_178, %dma_wait3A_179] : memref<4x800x32xf32, #tpu.memory_space<vmem>> -> memref<1x800x32xf32, #tpu.memory_space<vmem>>
    %dma_wait3A_181 = tpu.memref_squeeze %dma_wait3A_180 : memref<1x800x32xf32, #tpu.memory_space<vmem>> -> memref<800x32xf32, #tpu.memory_space<vmem>>
    %dma_wait3A_182 = arith.constant 0 : i32
    %dma_wait3A_183 = tpu.memref_slice %arg4[%add3A_175, %dma_wait3A_182] : memref<3276800x32xf32, #tpu.memory_space<hbm>> -> memref<800x32xf32, #tpu.memory_space<hbm>>
    %dma_wait3A_184 = tpu.memref_slice %arg9[%dma_wait3A_177] : memref<4x!tpu.dma_semaphore, #tpu.memory_space<semaphore_mem>> -> memref<1x!tpu.dma_semaphore, #tpu.memory_space<semaphore_mem>>
    %dma_wait3A_185 = tpu.memref_squeeze %dma_wait3A_184 : memref<1x!tpu.dma_semaphore, #tpu.memory_space<semaphore_mem>> -> memref<!tpu.dma_semaphore, #tpu.memory_space<semaphore_mem>>
    %dma_wait3A_186 = arith.constant 0 : i32
    %dma_wait3A_187 = tpu.memref_slice %arg4[%add3A_175, %dma_wait3A_186] : memref<3276800x32xf32, #tpu.memory_space<hbm>> -> memref<800x32xf32, #tpu.memory_space<hbm>>
    %dma_wait3A_188 = arith.constant 0 : i32
    %dma_wait3A_189 = arith.constant 0 : i32
    %dma_wait3A_190 = tpu.memref_slice %arg6[%dma_wait3A_176, %dma_wait3A_188, %dma_wait3A_189] : memref<4x800x32xf32, #tpu.memory_space<vmem>> -> memref<1x800x32xf32, #tpu.memory_space<vmem>>
    %dma_wait3A_191 = tpu.memref_squeeze %dma_wait3A_190 : memref<1x800x32xf32, #tpu.memory_space<vmem>> -> memref<800x32xf32, #tpu.memory_space<vmem>>
    tpu.wait_dma2 semaphore(%dma_wait3A_185 : memref<!tpu.dma_semaphore, #tpu.memory_space<semaphore_mem>>) src(%dma_wait3A_191 : memref<800x32xf32, #tpu.memory_space<vmem>>) dst(%dma_wait3A_187 : memref<800x32xf32, #tpu.memory_space<hbm>>)
    return
  }
}

</mosaic_0001>

<sc_bundles>
// kernel: kernel.3.cloned.1.call-start
scs
__scs_entry_jumppad:
0x0: {  	(pc) =	sbr.rel $0x88, $3  }
0x1: {  	(tag) =	ssettag $0x0;
	lr =	simm.s32 $0x1  }
0x2: {  	[smem:$0x3F9F] =	sst lr;
	_ =	strace $0xD0000000  }
0x3: {  	_ = 	snop  }
0x4: {  	_ = 	snop  }
0x5: {  	_ = 	snop  }
0x6: {  	_ = 	snop  }
0x7: {  	_ = 	snop  }
__scs_overlays_trampoline_lowered:
0x8: {  	[smem:$0x3FAE] =	sst s0  }
0x9: {  	[smem:$0x3FAF] =	sst s1  }
0xa: {  	[smem:$0x3FB0] =	sst s2  }
0xb: {  	[smem:$0x3FB1] =	sst s3  }
0xc: {  	[smem:$0x3FB2] =	sst s4  }
0xd: {  	[smem:$0x3FB3] =	sst s5  }
0xe: {  	[smem:$0x3FB4] =	sst s6  }
0xf: {  	[smem:$0x3FB5] =	sst s7  }
0x10: {  	[smem:$0x3FB6] =	sst s8  }
0x11: {  	[smem:$0x3FB7] =	sst s9;
	s0 =	simm.s32 @!p0 $0x0  }
0x12: {  	s1 =	sld [smem:$0x3F9D];
	s0 =	simm.s32 @p0 $0x1  }
0x13: {  	[smem:$0x3FB8] =	sst s0;
	s0 =	simm.s32 @!p1 $0x0  }
0x14: {  	s2 =	sld [smem:$0x3F9C];
	s0 =	simm.s32 @p1 $0x1  }
0x15: {  	[smem:$0x3FB9] =	sst s0;
	s0 =	simm.s32 @!p2 $0x0  }
0x16: {  	s3 =	sld [smem:$0x3FDB];
	s0 =	simm.s32 @p2 $0x1  }
0x17: {  	s4 =	simm.s32 $0x1BF5;
	[smem:$0x3FBB] =	sst s0  }
0x18: {  	s0 =	sld [smem:$0x3F9E];
	_ =	swait.ge [sflag:s4], $0x0  }
0x19: {  	s7 =	sld [smem:$0x3F9F]  }
0x1a: {  	s8 =	sadd.s32 $0xFFFFE003, lr  }
0x1b: {  	s9 =	sadd.s32 $0xFFFFFEF7, lr;
	s5 =	simm.s32 $0xFFFFFFFF;
	p2 =	slt.u32 s8, $0xFFFFF086  }
0x1c: {  	p1 =	slt.u32 s9, $0xF7A;
	s5 =	simm.s32 @!p2 $0x0  }
0x1d: {  	s5 =	simm.s32 @p1 $0x1;
	p0 =	seq.s32 s7, s2  }
0x1e: {  	s7 =	smul.u32 @!p0 $0xF7A, s2;
	p2 =	seq.s32 @!p0 s5, $0x0  }
0x1f: {  	s9 =	smul.u32 $0xF7A, s1;
	s8 =	simm.s32 @!p0 $0x1BF5;
	p2 =	por !p2, p0  }
0x20: {  	[sflag:s8] =	ssyncset.s32 @!p0 $0xFFFFF086;
	s6 =	sadd.s32 @!p0 s3, s7;
	s7 =	simm.s32 @!p0 $0x108  }
0x21: {  	s3 =	sadd.s32 s3, s9;
	s6 =	sadd.s32 @!p0 $0x88, s6;
	s7 =	simm.s32 @p2 $0x1082  }
0x22: {  	[simem:s7], [sflag:s8] =	dma.local @!p0 [hbm:s6], $0xF7A  }
0x23: {  	s9 =	sor.u32 $0xD0000000, s2;
	s6 =	simm.s32 $0x108;
	_ =	swait.ge @!p0 [sflag:s8], $0x0  }
0x24: {  	s3 =	sadd.s32 $0x88, s3;
	s6 =	simm.s32 @!p1 $0x1082;
	[sflag:s4] =	ssyncset.s32 $0xFFFFF086  }
0x25: {  	[simem:s6], [sflag:s4] =	dma.local [hbm:s3], $0xF7A  }
0x26: {  	[smem:$0x3F9F] =	sst s1;
	(tag) =	ssettag s2;
	_ =	strace s9  }
0x27: {  	s1 =	sld [smem:$0x3FAF]  }
0x28: {  	s2 =	sld [smem:$0x3FB0]  }
0x29: {  	s4 =	sld [smem:$0x3FB2]  }
0x2a: {  	p0 =	seq.s32 s5, $0x0;
	s5 =	sld [smem:$0x3FB3]  }
0x2b: {  	s6 =	sld [smem:$0x3FB4]  }
0x2c: {  	s7 =	sld [smem:$0x3FB5]  }
0x2d: {  	s3 =	simm.s32 $0x108;
	s8 =	sld [smem:$0x3FB6]  }
0x2e: {  	s3 =	simm.s32 @!p0 $0x1082;
	s9 =	sld [smem:$0x3FB7]  }
0x2f: {  	lr =	sadd.s32 s0, s3;
	s0 =	sld [smem:$0x3FAE]  }
0x30: {  	s3 =	sld [smem:$0x3FB1]  }
0x31: {  	[smem:$0x3FBA] =	sst s10  }
0x32: {  	s10 =	sld [smem:$0x3FB8];
	_ =	sdelay $0x3  }
0x33: {  	p0 =	seq.s32 s10, $0x1;
	s10 =	sld [smem:$0x3FBA];
	_ =	sdelay $0x3  }
0x34: {  	[smem:$0x3FBA] =	sst s10  }
0x35: {  	s10 =	sld [smem:$0x3FB9];
	_ =	sdelay $0x3  }
0x36: {  	p1 =	seq.s32 s10, $0x1;
	s10 =	sld [smem:$0x3FBA];
	_ =	sdelay $0x3  }
0x37: {  	[smem:$0x3FBA] =	sst s10  }
0x38: {  	s10 =	sld [smem:$0x3FBB]  }
0x39: {  	_ = 	snop;
	(pc) =	sbr.ind lr, $3  }
0x3a: {  	_ = 	snop  }
0x3b: {  	_ = 	snop  }
0x3c: {  	p2 =	seq.s32 s10, $0x1;
	s10 =	sld [smem:$0x3FBA]  }
0x3d: {  	_ =	shalt  }
0x3e: {  	_ =	shalt  }
0x3f: {  	_ =	shalt  }
0x40: {  	_ =	shalt  }
0x41: {  	_ =	shalt  }
0x42: {  	_ =	shalt  }
0x43: {  	_ =	shalt  }
0x44: {  	_ =	shalt  }
0x45: {  	_ =	shalt  }
0x46: {  	_ =	shalt  }
0x47: {  	_ =	shalt  }
0x48: {  	_ =	shalt  }
0x49: {  	_ =	shalt  }
0x4a: {  	_ =	shalt  }
0x4b: {  	_ =	shalt  }
0x4c: {  	_ =	shalt  }
0x4d: {  	_ =	shalt  }
0x4e: {  	_ =	shalt  }
0x4f: {  	_ =	shalt  }
0x50: {  	_ =	shalt  }
0x51: {  	_ =	shalt  }
0x52: {  	_ =	shalt  }
0x53: {  	_ =	shalt  }
0x54: {  	_ =	shalt  }
0x55: {  	_ =	shalt  }
0x56: {  	_ =	shalt  }
0x57: {  	_ =	shalt  }
0x58: {  	_ =	shalt  }
0x59: {  	_ =	shalt  }
0x5a: {  	_ =	shalt  }
0x5b: {  	_ =	shalt  }
0x5c: {  	_ =	shalt  }
0x5d: {  	_ =	shalt  }
0x5e: {  	_ =	shalt  }
0x5f: {  	_ =	shalt  }
0x60: {  	_ =	shalt  }
0x61: {  	_ =	shalt  }
0x62: {  	_ =	shalt  }
0x63: {  	_ =	shalt  }
0x64: {  	_ =	shalt  }
0x65: {  	_ =	shalt  }
0x66: {  	_ =	shalt  }
0x67: {  	_ =	shalt  }
0x68: {  	_ =	shalt  }
0x69: {  	_ =	shalt  }
0x6a: {  	_ =	shalt  }
0x6b: {  	_ =	shalt  }
0x6c: {  	_ =	shalt  }
0x6d: {  	_ =	shalt  }
0x6e: {  	_ =	shalt  }
0x6f: {  	_ =	shalt  }
0x70: {  	_ =	shalt  }
0x71: {  	_ =	shalt  }
0x72: {  	_ =	shalt  }
0x73: {  	_ =	shalt  }
0x74: {  	_ =	shalt  }
0x75: {  	_ =	shalt  }
0x76: {  	_ =	shalt  }
0x77: {  	_ =	shalt  }
0x78: {  	_ =	shalt  }
0x79: {  	_ =	shalt  }
0x7a: {  	_ =	shalt  }
0x7b: {  	_ =	shalt  }
0x7c: {  	_ =	shalt  }
0x7d: {  	_ =	shalt  }
0x7e: {  	_ =	shalt  }
0x7f: {  	_ =	shalt  }
0x80: {  	_ =	shalt  }
0x81: {  	_ =	shalt  }
0x82: {  	_ =	shalt  }
0x83: {  	_ =	shalt  }
0x84: {  	_ =	shalt  }
0x85: {  	_ =	shalt  }
0x86: {  	_ =	shalt  }
0x87: {  	_ =	shalt  }
.Lfunc_end0:
.L_simem_size_0:
called_computation.1_lowered:
.L_overlay_start_0:
0x88: {  	s2 =	sld [smem:$0x3FD9]  }
0x89: {  	s3 =	sld [smem:$0x3FFE];
	_ =	sdelay $0x1  }
0x8a: {  	s1 =	srdreg.scid  }
0x8b: {  	s0 =	sand.u32 $0x1, s1  }
0x8c: {  	s17 =	sshll.u32 s0, $0xA;
	s2 =	sadd.s32 s3, s2  }
0x8d: {  	s2 =	sadd.s32 s2, s17  }
0x8e: {  	[smem:$0x3FC6] =	sst s2  }
0x8f: {  	_ = 	snop  }
0x90: {  	s2 =	sld [smem:$0x3FD0];
	(tm) =	ssettm $0x1  }
0x91: {  	s18 =	sld [smem:$0x3FFB];
	_ =	sdelay $0x3  }
0x92: {  	_ =	strace s18  }
0x93: {  	s3 =	sld [smem:$0x3FFC];
	_ =	sdelay $0x3  }
0x94: {  	_ =	strace s3  }
0x95: {  	s3 =	sld [smem:$0x3FFD];
	_ =	sdelay $0x3  }
0x96: {  	_ =	strace s3  }
0x97: {  	_ =	strace $0x8FFFFFFF  }
0x98: {  	s19 =	sld [smem:$0x3FDB];
	_ =	sdelay $0x1  }
0x99: {  	s4 =	simm.s32 $_scs_section_size  }
0x9a: {  	s5 =	simm.s32 $_size__tile_overlayer_lowered;
	s6 =	simm.s32 $_tile_overlayer_lowered  }
0x9b: {  	s22 =	simm.s32 $0x1BFF;
	s21 =	sshll.u32 s6, $0x1;
	s3 =	sadd.s32 s4, s19  }
0x9c: {  	s7 =	simm.s32 $0x0;
	s20 =	sshll.u32 s5, $0x1;
	s5 =	sadd.s32 s21, s3  }
0x9d: {  	[timem:s7], [sflag:s22] =	dma.local [hbm:s5], s20  }
0x9e: {  	_ =	swait.ge [sflag:s22], s20  }
0x9f: {  	s4 =	ssub.s32 $0x0, s20;
	[sflag:s22] =	ssyncset.done $0x0  }
0xa0: {  	[sflag:s22] =	ssyncadd.s32 s4;
	_ =	sdelay $0x1  }
0xa1: {  	s23 =	simm.s32 $0x1B8B  }
0xa2: {  	_ =	swait.ge [sflag:s23], $0x1  }
0xa3: {  	[sflag:s23] =	ssyncset.done $0x0  }
0xa4: {  	s25 =	simm.s32 $0x1B8E;
	s24 =	sld [smem:$0x3FFE];
	[sflag:s23] =	ssyncadd.s32 $0xFFFFFFFF  }
0xa5: {  	s26 =	simm.s32 $execute0_lowered;
	[smem:$0x3FD2] =	sst s25  }
0xa6: {  	s5 =	sshll.u32 s26, $0x1;
	_ =	strace $0x80000046;
	[dreg:$0x1] =	wrdreg $0xFFFFFFFF  }
0xa7: {  	s28 =	simm.s32 $_size_execute0_lowered;
	s3 =	sadd.s32 s3, s5;
	[dreg:$0x0] =	wrdreg $0x0  }
0xa8: {  	s5 =	sshll.u32 s28, $0x1;
	[dreg:$0x2] =	wrdreg s3  }
0xa9: {  	[dreg:$0x3] =	wrdreg s5  }
0xaa: {  	[dreg:$0x4] =	wrdreg $0xC0  }
0xab: {  	_ =	task [dreg:s7], $0x5FFFF  }
0xac: {  	[dreg:$0x1] =	wrdreg $0xFFFFFFFF  }
0xad: {  	[dreg:$0x0] =	wrdreg $0x60  }
0xae: {  	[dreg:$0x2] =	wrdreg s24  }
0xaf: {  	[dreg:$0x3] =	wrdreg s2  }
0xb0: {  	[dreg:$0x4] =	wrdreg $0x9  }
0xb1: {  	_ =	task.clear_ibuf [dreg:s7], $0x5FFFF;
	_ =	strace $0x90000046  }
0xb2: {  	s29 =	simm.s32 $0x9;
	_ =	strace $0x80000048  }
0xb3: {  	_ =	swait.ge [sflag:s29], $0x1  }
0xb4: {  	[sflag:s29] =	ssyncadd.s32 $0xFFFFFFFF  }
0xb5: {  	_ =	strace $0x90000048  }
0xb6: {  	_ =	sfence  }
0xb7: {  	s30 =	sld [smem:$0x0];
	_ =	sdelay $0x2  }
0xb8: {  	s31 =	sshll.u32 s1, $0xD;
	s1 =	sshrl.u32 s1, $0x2  }
0xb9: {  	s3 =	sand.u32 $0x4000, s31;
	s1 =	sadd.s32 s1, s30  }
0xba: {  	s0 =	sor.u32 s3, s0;
	s1 =	sshll.u32 s1, $0x11  }
0xbb: {  	s0 =	sor.u32 s1, s0  }
0xbc: {  	s0 =	sadd.s32 $0x8F2B, s0  }
0xbd: {  	[sflag:s0] =	ssyncadd.remote.s32 $0x1  }
0xbe: {  	_ =	sfence.sel $0xFFFF  }
0xbf: {  	[dreg:$0x0] =	wrdreg $0xFFFFFFFF;
	(pc) =	sbr.abs _section_cstart, $3  }
0xc0: {  	[dreg:$0x1] =	wrdreg $0xFFFFFFFF  }
0xc1: {  	_ =	task.clear_ibuf [dreg:s7], $0x2FFFF;
	_ =	strace $0x9FFFFFFF  }
0xc2: {  	(tm) =	ssettm $0x7FFFFFFF  }
0xc3: {  	_ =	shalt  }
tec
execute0_lowered:
.L_overlay_start_1:
0x0: {  	(tag) =	ssettag $0x1  }
0x1: {  	s0 =	rddreg [dreg:$0x0];
	s1 =	srdreg.scid  }
0x2: {  	s10 =	stileid.u32;
	s3 =	rddreg [dreg:$0x1]  }
0x3: {  	s2 =	simm.s32 $0x0;
	s28 =	simm.s32 $0x6;
	s29 =	simm.s32 $0x4  }
0x4: {  	s30 =	simm.s32 $0x13880;
	s31 =	simm.s32 $0x7;
	s7 =	smul.u32 $0x32000, s10  }
0x5: {  	s1 =	sand.u32 $0x1, s1;
	s4 =	sshll.u32 s10, $0x1;
	s23 =	smul.u32 $0xC8000, s10  }
0x6: {  	[smem:$0x7FF] =	sst s2;
	s5 =	sadd.s32 $0x800, s0;
	s9 =	smul.u32 $0x19000, s1  }
0x7: {  	s4 =	sor.u32 s1, s4;
	s6 =	ssub.s32 $0x2, s1;
	s1 =	smul.u32 $0x64000, s1  }
0x8: {  	_ =	strace $0x80000047;
	s4 =	smul.u32 $0x19000, s4;
	s8 =	sshrl.u32 s6, $0x1  }
0x9: {  	s26 =	sadd.s32 s23, s3;
	s23 =	simm.s32 $0x7080;
	s16 =	sadd.s32 s9, s7  }
0xa: {  	s12 =	ssub.s32 s6, s8;
	s4 =	sshrl.u32 s4, $0x3;
	s17 =	sadd.s32 $0x15E0, s16  }
0xb: {  	s7 =	sshll.u32 s16, $0x2;
	s18 =	sadd.s32 $0x12C0, s16;
	s22 =	sor.u32 $0xFA0, s16  }
0xc: {  	s6 =	sor.u32 $0xC80, s16;
	s11 =	sadd.s32 s5, s4;
	s4 =	sadd.s32 $0xFA6C00, s0  }
0xd: {  	s0 =	smax.u32 s12, $0x1;
	s7 =	sadd.s32 s7, s3;
	s20 =	sshrl.u32 s18, $0x3  }
0xe: {  	s24 =	sshrl.u32 s6, $0x3;
	s18 =	simm.s32 $0x640;
	[dreg:$0x3] =	wrdreg s11  }
0xf: {  	s6 =	simm.s32 $0xB;
	s13 =	sadd.s32 $0x64, s11;
	[dreg:$0x7] =	wrdreg s0  }
0x10: {  	s14 =	sadd.s32 $0xC8, s11;
	s15 =	sadd.s32 $0x12C, s11;
	[dreg:$0x4] =	wrdreg s13  }
0x11: {  	s0 =	sshrl.u32 s17, $0x3;
	s19 =	sadd.s32 $0x2580, s7;
	[dreg:$0x5] =	wrdreg s14  }
0x12: {  	s11 =	sadd.s32 s20, s5;
	s21 =	sadd.s32 $0x1900, s7;
	[dreg:$0x6] =	wrdreg s15  }
0x13: {  	s25 =	sadd.s32 $0xC80, s7;
	s17 =	simm.s32 $0x320;
	[dreg:$0x8] =	wrdreg s19  }
0x14: {  	s7 =	simm.s32 $0x0;
	s9 =	sadd.s32 s0, s5;
	[dreg:$0x9] =	wrdreg s21  }
.Ltmp0:
0x15: {  	s0 =	sshrl.u32 s22, $0x3;
	[dreg:$0xa] =	wrdreg s25;
	(pc) =	sbr.rel .LBB2_1-.Ltmp0, $4  }
0x16: {  	s15 =	sadd.s32 s24, s5;
	s19 =	simm.s32 $0x960;
	s21 =	simm.s32 $0xC80  }
0x17: {  	s22 =	simm.s32 $0x2;
	s24 =	simm.s32 $0x5;
	s25 =	simm.s32 $0x3  }
0x18: {  	s13 =	sadd.s32 s0, s5;
	s0 =	sadd.s32 s1, s26;
	s26 =	simm.s32 $0xD480  }
0x19: {  	s1 =	simm.s32 $0x8;
	s5 =	simm.s32 $0xA;
	[dreg:$0xb] =	wrdreg s0  }
.LBB2_7:
0x1a: {  	s0 =	simm.s32 $0x9  }
0x1b: {  	_ =	swait.ge [sflag:s0], $0x6400  }
0x1c: {  	[sflag:s0] =	ssyncset.done $0x0  }
0x1d: {  	[sflag:s0] =	ssyncadd.s32 $0xFFFF9C00  }
0x1e: {  	_ =	swait.ge [sflag:s5], $0x6400  }
0x1f: {  	[sflag:s5] =	ssyncset.done $0x0  }
0x20: {  	[sflag:s5] =	ssyncadd.s32 $0xFFFF9C00  }
0x21: {  	_ =	swait.ge [sflag:s6], $0x6400  }
0x22: {  	[sflag:s6] =	ssyncset.done $0x0  }
0x23: {  	s3 =	simm.s32 $0xC;
	[sflag:s6] =	ssyncadd.s32 $0xFFFF9C00  }
0x24: {  	_ =	swait.ge [sflag:s3], $0x6400  }
0x25: {  	s7 =	rddreg [dreg:$0xc]  }
0x26: {  	s20 =	rddreg [dreg:$0x7];
	s7 =	sadd.s32 $0x1, s7  }
0x27: {  	p0 =	sne.s32 s7, s20  }
.Ltmp1:
0x28: {  	_ = 	snop;
	(pc) =	sbr.rel @!p0 .LBB2_8-.Ltmp1, $3  }
0x29: {  	_ =	sdelay $0x1  }
0x2a: {  	[sflag:s3] =	ssyncset.done $0x0  }
0x2b: {  	[sflag:s3] =	ssyncadd.s32 $0xFFFF9C00  }
.LBB2_1:
0x2c: {  	[dreg:$0xc] =	wrdreg s7  }
0x2d: {  	s0 =	rddreg [dreg:$0x3]  }
0x2e: {  	[tilespmem:s2], [sflag:$0x1] =	stream.linear.gather [hbm4b:s0+s2], $0x320, $0x38;
	[tilespmem:$0x19C80] =	vst v63  }
0x2f: {  	s12 =	rddreg [dreg:$0x4]  }
0x30: {  	[tilespmem:s17], [sflag:$0x2] =	stream.linear.gather [hbm4b:s12+s2], $0x320, $0x38;
	[tilespmem:$0x19C80] =	vst v63  }
0x31: {  	s14 =	rddreg [dreg:$0x5]  }
0x32: {  	[tilespmem:s18], [sflag:$0x3] =	stream.linear.gather [hbm4b:s14+s2], $0x320, $0x38;
	[tilespmem:$0x19C80] =	vst v63  }
0x33: {  	s16 =	rddreg [dreg:$0x6];
	s20 =	simm.s32 $0x1  }
0x34: {  	[tilespmem:s19], [sflag:$0x4] =	stream.linear.gather [hbm4b:s16+s2], $0x320, $0x38;
	[tilespmem:$0x19C80] =	vst v63  }
0x35: {  	_ =	swait.ge [sflag:s20], $0x320  }
0x36: {  	[sflag:s20] =	ssyncset.done $0x0  }
0x37: {  	[sflag:s20] =	ssyncadd.s32 $0xFFFFFCE0  }
0x38: {  	[tilespmem:s21], [sflag:$0x5] =	stream.indirect.gather [hbm4b:s4+s17], $0x20, s2, s17, $0xb8;
	[tilespmem:$0x19C80] =	vst v63  }
0x39: {  	_ =	swait.ge [sflag:s22], $0x320  }
0x3a: {  	s16 =	rddreg [dreg:$0xb]  }
0x3b: {  	s14 =	rddreg [dreg:$0xa]  }
0x3c: {  	[sflag:s22] =	ssyncset.done $0x0;
	s12 =	rddreg [dreg:$0x9]  }
0x3d: {  	s3 =	simm.s32 $0x0;
	s10 =	rddreg [dreg:$0x8];
	[sflag:s22] =	ssyncadd.s32 $0xFFFFFCE0  }
0x3e: {  	[tilespmem:s23], [sflag:$0x6] =	stream.indirect.gather [hbm4b:s4+s17], $0x20, s17, s17, $0xb8;
	[tilespmem:$0x19C80] =	vst v63  }
.LBB2_2:
0x3f: {  	p0 =	seq.s32 s3, $0x3070  }
0x40: {  	p1 =	seq.s32 @!p0 s3, $0x0  }
0x41: {  	_ =	swait.ge [sflag:s24], $0x6400;
	p1 =	por p0, !p1  }
.Ltmp2:
0x42: {  	[sflag:s24] =	ssyncset.done $0x0;
	(pc) =	sbr.rel @!p1 .LBB2_3-.Ltmp2, $4  }
0x43: {  	[sflag:s24] =	ssyncadd.s32 $0xFFFF9C00  }
0x44: {  	[hbm4b:s16+s2] =	stream.linear.scatter [tilespmem:s21], [sflag:$0x9], $0x6400, $0x38;
	[tilespmem:$0x19C80] =	vst v63  }
0x45: {  	s0 =	sadd.s32 @!p0 s3, s15;
	s20 =	simm.s32 @!p0 $0x0  }
0x46: {  	[tilespmem:s20], [sflag:$0x1] =	stream.linear.gather @!p0 [hbm4b:s0+s20], $0x320, $0x38;
	[tilespmem:$0x19C80] =	vst v63  }
.Ltmp3:
0x47: {  	(pc) =	sbr.rel .LBB2_5-.Ltmp3, $4  }
0x48: {  	_ = 	snop  }
0x49: {  	_ =	swait.ge [sflag:s6], $0x6400  }
0x4a: {  	[sflag:s6] =	ssyncset.done $0x0  }
0x4b: {  	p1 =	por $0x0, $0x0;
	[sflag:s6] =	ssyncadd.s32 $0xFFFF9C00  }
.LBB2_3:
0x4c: {  	p1 =	por @!p0 $0x1, $0x1  }
.LBB2_5:
0x4d: {  	_ =	swait.ge [sflag:s25], $0x320  }
0x4e: {  	[sflag:s25] =	ssyncset.done $0x0  }
0x4f: {  	[sflag:s25] =	ssyncadd.s32 $0xFFFFFCE0  }
0x50: {  	[tilespmem:s26], [sflag:$0x7] =	stream.indirect.gather [hbm4b:s4+s17], $0x20, s18, s17, $0xb8;
	[tilespmem:$0x19C80] =	vst v63  }
0x51: {  	_ =	swait.ge [sflag:s28], $0x6400  }
0x52: {  	[sflag:s28] =	ssyncset.done $0x0  }
0x53: {  	[sflag:s28] =	ssyncadd.s32 $0xFFFF9C00  }
0x54: {  	[hbm4b:s14+s2] =	stream.linear.scatter [tilespmem:s23], [sflag:$0xA], $0x6400, $0x38;
	[tilespmem:$0x19C80] =	vst v63  }
0x55: {  	s0 =	sadd.s32 @!p0 s3, s13;
	s7 =	simm.s32 @!p0 $0x320  }
0x56: {  	[tilespmem:s7], [sflag:$0x2] =	stream.linear.gather @!p0 [hbm4b:s0+s20], $0x320, $0x38;
	[tilespmem:$0x19C80] =	vst v63  }
0x57: {  	s0 =	simm.s32 @!p1 $0xC  }
0x58: {  	_ =	swait.ge @!p1 [sflag:s0], $0x6400  }
0x59: {  	[sflag:s0] =	ssyncset.done @!p1 $0x0  }
0x5a: {  	[sflag:s0] =	ssyncadd.s32 @!p1 $0xFFFF9C00  }
0x5b: {  	_ =	swait.ge [sflag:s29], $0x320  }
0x5c: {  	[sflag:s29] =	ssyncset.done $0x0  }
0x5d: {  	[sflag:s29] =	ssyncadd.s32 $0xFFFFFCE0  }
0x5e: {  	[tilespmem:s30], [sflag:$0x8] =	stream.indirect.gather [hbm4b:s4+s17], $0x20, s19, s17, $0xb8;
	[tilespmem:$0x19C80] =	vst v63  }
0x5f: {  	_ =	swait.ge [sflag:s31], $0x6400  }
0x60: {  	[sflag:s31] =	ssyncset.done $0x0  }
0x61: {  	[sflag:s31] =	ssyncadd.s32 $0xFFFF9C00  }
0x62: {  	[hbm4b:s12+s2] =	stream.linear.scatter [tilespmem:s26], [sflag:$0xB], $0x6400, $0x38;
	[tilespmem:$0x19C80] =	vst v63  }
0x63: {  	s8 =	simm.s32 @!p0 $0x640;
	s0 =	sadd.s32 @!p0 s3, s11  }
0x64: {  	[tilespmem:s8], [sflag:$0x3] =	stream.linear.gather @!p0 [hbm4b:s0+s20], $0x320, $0x38;
	[tilespmem:$0x19C80] =	vst v63  }
0x65: {  	s0 =	simm.s32 @!p0 $0x9  }
0x66: {  	_ =	swait.ge @!p0 [sflag:s0], $0x6400  }
0x67: {  	[sflag:s0] =	ssyncset.done @!p0 $0x0  }
0x68: {  	[sflag:s0] =	ssyncadd.s32 @!p0 $0xFFFF9C00;
	s0 =	simm.s32 @!p0 $0x1  }
0x69: {  	_ =	swait.ge @!p0 [sflag:s0], $0x320  }
0x6a: {  	[sflag:s0] =	ssyncset.done @!p0 $0x0  }
0x6b: {  	[sflag:s0] =	ssyncadd.s32 @!p0 $0xFFFFFCE0;
	s0 =	simm.s32 @!p0 $0xC80  }
0x6c: {  	[tilespmem:s0], [sflag:$0x5] =	stream.indirect.gather @!p0 [hbm4b:s4+s7], $0x20, s20, s7, $0xb8;
	[tilespmem:$0x19C80] =	vst v63  }
.Ltmp4:
0x6d: {  	_ = 	snop;
	(pc) =	sbr.rel @p0 .LBB2_7-.Ltmp4, $4  }
0x6e: {  	_ =	swait.ge [sflag:s1], $0x6400  }
0x6f: {  	[sflag:s1] =	ssyncset.done $0x0  }
0x70: {  	[sflag:s1] =	ssyncadd.s32 $0xFFFF9C00  }
0x71: {  	[hbm4b:s10+s2] =	stream.linear.scatter [tilespmem:s30], [sflag:$0xC], $0x6400, $0x38;
	[tilespmem:$0x19C80] =	vst v63  }
0x72: {  	s0 =	sadd.s32 s3, s9  }
0x73: {  	[tilespmem:s19], [sflag:$0x4] =	stream.linear.gather [hbm4b:s0+s2], $0x320, $0x38;
	[tilespmem:$0x19C80] =	vst v63  }
0x74: {  	_ =	swait.ge [sflag:s5], $0x6400  }
0x75: {  	[sflag:s5] =	ssyncset.done $0x0  }
.Ltmp5:
0x76: {  	[sflag:s5] =	ssyncadd.s32 $0xFFFF9C00;
	(pc) =	sbr.rel .LBB2_2-.Ltmp5, $4  }
0x77: {  	s3 =	sadd.s32 $0x190, s3;
	_ =	swait.ge [sflag:s22], $0x320  }
0x78: {  	s10 =	sadd.s32 $0x3200, s10;
	s12 =	sadd.s32 $0x3200, s12;
	[sflag:s22] =	ssyncset.done $0x0  }
0x79: {  	s14 =	sadd.s32 $0x3200, s14;
	s16 =	sadd.s32 $0x3200, s16;
	[sflag:s22] =	ssyncadd.s32 $0xFFFFFCE0  }
0x7a: {  	[tilespmem:s23], [sflag:$0x6] =	stream.indirect.gather [hbm4b:s4+s17], $0x20, s17, s17, $0xb8;
	[tilespmem:$0x19C80] =	vst v63  }
.LBB2_8:
0x7b: {  	_ =	sfence.sel $0x180000  }
0x7c: {  	[bflag:$0x0] =	sbarrier.arrive $0xFFFF  }
0x7d: {  	_ =	strace $0x90000047  }
0x7e: {  	s0 =	stileid.u32;
	[bflag:$0x2] =	sbarrier.arrive $0xFFFF  }
0x7f: {  	p0 =	sne.s32 s0, $0x0;
	s0 =	rddreg [dreg:$0x2]  }
0x80: {  	s0 =	sadd.s32 @!p0 $0x100000, s0  }
0x81: {  	[sflag:s0] =	ssyncadd.tile.s32 @!p0 $0x1;
	_ =	shalt  }
.Lfunc_end2:
_tile_overlayer_lowered:
.L_overlay_start_2:
0x82: {  	(tag) =	ssettag $0x2  }
0x83: {  	s0 =	rddreg [dreg:$0x0];
	s2 =	stileid.u32  }
0x84: {  	s1 =	rddreg [dreg:$0x1];
	p0 =	sne.s32 s2, $0x0  }
0x85: {  	s3 =	rddreg [dreg:$0x2];
	[bflag:$0x3] =	sbarrier.arrive $0xFFFF;
	s2 =	simm.s32 @!p0 $0x1C0D  }
0x86: {  	[timem:s3], [sflag:s2] =	dma.local @!p0 [hbm:s0], s1  }
0x87: {  	s0 =	simm.s32 @!p0 $0xD  }
0x88: {  	_ =	swait.ge @!p0 [sflag:s0], s1  }
0x89: {  	s1 =	ssub.s32 @!p0 $0x0, s1;
	[sflag:s0] =	ssyncset.done @!p0 $0x0  }
0x8a: {  	[sflag:s0] =	ssyncadd.s32 @!p0 s1  }
0x8b: {  	[bflag:$0x3] =	sbarrier.arrive $0xFFFF  }
0x8c: {  	_ =	shalt  }

// kernel: sparse-core-data-format-call.cloned.1.call-start
scs
called_computation_lowered:
.L_overlay_start_0:
0x0: {  	s2 =	sld [smem:$0x3FD9]  }
0x1: {  	s3 =	sld [smem:$0x3FFE];
	_ =	sdelay $0x1  }
0x2: {  	s1 =	srdreg.scid  }
0x3: {  	s0 =	sand.u32 $0x1, s1  }
0x4: {  	s18 =	sshll.u32 s0, $0xA;
	s2 =	sadd.s32 s3, s2  }
0x5: {  	s2 =	sadd.s32 s2, s18  }
0x6: {  	[smem:$0x3FC6] =	sst s2  }
0x7: {  	_ = 	snop  }
0x8: {  	s2 =	sld [smem:$0x3FD0];
	(tm) =	ssettm $0x1  }
0x9: {  	s19 =	sld [smem:$0x3FFB];
	_ =	sdelay $0x3  }
0xa: {  	_ =	strace s19  }
0xb: {  	s3 =	sld [smem:$0x3FFC];
	_ =	sdelay $0x3  }
0xc: {  	_ =	strace s3  }
0xd: {  	s3 =	sld [smem:$0x3FFD];
	_ =	sdelay $0x3  }
0xe: {  	_ =	strace s3  }
0xf: {  	_ =	strace $0x8FFFFFFF  }
0x10: {  	s20 =	sld [smem:$0x3FDB];
	_ =	sdelay $0x1  }
0x11: {  	s4 =	simm.s32 $_scs_section_size  }
0x12: {  	s5 =	simm.s32 $_size__tile_overlayer_lowered;
	s6 =	simm.s32 $_tile_overlayer_lowered  }
0x13: {  	s23 =	simm.s32 $0x1BFF;
	s22 =	sshll.u32 s6, $0x1;
	s3 =	sadd.s32 s4, s20  }
0x14: {  	s7 =	simm.s32 $0x0;
	s21 =	sshll.u32 s5, $0x1;
	s5 =	sadd.s32 s22, s3  }
0x15: {  	[timem:s7], [sflag:s23] =	dma.local [hbm:s5], s21  }
0x16: {  	_ =	swait.ge [sflag:s23], s21  }
0x17: {  	s4 =	ssub.s32 $0x0, s21;
	[sflag:s23] =	ssyncset.done $0x0  }
0x18: {  	[sflag:s23] =	ssyncadd.s32 s4;
	_ =	sdelay $0x1  }
0x19: {  	s24 =	simm.s32 $0x1B8B  }
0x1a: {  	_ =	swait.ge [sflag:s24], $0x1  }
0x1b: {  	[sflag:s24] =	ssyncset.done $0x0  }
0x1c: {  	s26 =	simm.s32 $0x1B8E;
	s25 =	sld [smem:$0x3FFE];
	[sflag:s24] =	ssyncadd.s32 $0xFFFFFFFF  }
0x1d: {  	s27 =	simm.s32 $execute0_lowered;
	[smem:$0x3FD2] =	sst s26  }
0x1e: {  	s5 =	sshll.u32 s27, $0x1;
	_ =	strace $0x80000049;
	[dreg:$0x1] =	wrdreg $0xFFFFFFFF  }
0x1f: {  	s28 =	simm.s32 $_size_execute0_lowered;
	s3 =	sadd.s32 s3, s5;
	[dreg:$0x0] =	wrdreg $0x0  }
0x20: {  	s5 =	sshll.u32 s28, $0x1;
	[dreg:$0x2] =	wrdreg s3  }
0x21: {  	[dreg:$0x3] =	wrdreg s5  }
0x22: {  	[dreg:$0x4] =	wrdreg $0xC0  }
0x23: {  	_ =	task [dreg:s7], $0x5FFFF  }
0x24: {  	[dreg:$0x1] =	wrdreg $0xFFFFFFFF  }
0x25: {  	[dreg:$0x0] =	wrdreg $0x60  }
0x26: {  	[dreg:$0x2] =	wrdreg s25  }
0x27: {  	[dreg:$0x3] =	wrdreg s2  }
0x28: {  	[dreg:$0x4] =	wrdreg $0x9  }
0x29: {  	_ =	task.clear_ibuf [dreg:s7], $0x5FFFF;
	_ =	strace $0x90000049  }
0x2a: {  	s29 =	simm.s32 $0x9;
	_ =	strace $0x8000004B  }
0x2b: {  	_ =	swait.ge [sflag:s29], $0x1  }
0x2c: {  	[sflag:s29] =	ssyncadd.s32 $0xFFFFFFFF  }
0x2d: {  	_ =	strace $0x9000004B  }
0x2e: {  	_ =	sfence  }
0x2f: {  	s30 =	sld [smem:$0x0];
	_ =	sdelay $0x2  }
0x30: {  	s31 =	sshll.u32 s1, $0xD;
	s1 =	sshrl.u32 s1, $0x2  }
0x31: {  	s3 =	sand.u32 $0x4000, s31;
	s1 =	sadd.s32 s1, s30  }
0x32: {  	s0 =	sor.u32 s3, s0;
	s1 =	sshll.u32 s1, $0x11  }
0x33: {  	s0 =	sor.u32 s1, s0  }
0x34: {  	s0 =	sadd.s32 $0x8F2B, s0  }
0x35: {  	[sflag:s0] =	ssyncadd.remote.s32 $0x1  }
0x36: {  	_ =	sfence.sel $0xFFFF  }
0x37: {  	[dreg:$0x0] =	wrdreg $0xFFFFFFFF;
	(pc) =	sbr.abs _section_cstart, $3  }
0x38: {  	[dreg:$0x1] =	wrdreg $0xFFFFFFFF  }
0x39: {  	_ =	task.clear_ibuf [dreg:s7], $0x2FFFF;
	_ =	strace $0x9FFFFFFF  }
0x3a: {  	(tm) =	ssettm $0x7FFFFFFF  }
0x3b: {  	_ =	shalt  }
tec
execute0_lowered:
.L_overlay_start_1:
0x0: {  	(tag) =	ssettag $0x1  }
0x1: {  	s0 =	srdreg.scid  }
0x2: {  	s1 =	sshll.u32 s0, $0x4  }
0x3: {  	s0 =	stileid.u32;
	s1 =	sand.u32 $0x10, s1  }
0x4: {  	s1 =	sor.u32 s0, s1  }
0x5: {  	s6 =	rddreg [dreg:$0x0];
	s4 =	simm.s32 $0x1;
	s2 =	sshll.u32 s1, $0x7  }
0x6: {  	s7 =	simm.s32 $0x2;
	s12 =	simm.s32 $0x0;
	s1 =	ssub.s32 $0x4000, s2  }
0x7: {  	s8 =	simm.s32 $0x20000;
	s13 =	simm.s32 $0x0;
	s3 =	sand.u32 $0xF80, s1  }
0x8: {  	s9 =	simm.s32 $0x0;
	s5 =	sshrl.u32 s1, $0xC;
	p0 =	sne.s32 s3, $0x0  }
.Ltmp0:
0x9: {  	s1 =	rddreg [dreg:$0x2];
	s4 =	simm.s32 @!p0 $0x0;
	(pc) =	sbr.rel .LBB1_1-.Ltmp0, $4  }
0xa: {  	s11 =	simm.s32 $0x0;
	s3 =	rddreg [dreg:$0x1];
	s5 =	sadd.s32 s4, s5  }
0xb: {  	_ =	strace $0x8000004A;
	s4 =	simm.s32 $0x1;
	s5 =	smul.u32 $0xC8, s5  }
0xc: {  	s6 =	sadd.s32 $0x800, s6;
	s10 =	smov.u32 s2;
	[sflag:s4] =	ssyncpa.u1 $0x0  }
0xd: {  	p0 =	por $0x0, $0x0;
	[sflag:s7] =	ssyncpa.u1 $0x0;
	s7 =	sor.u32 $0x1, s5  }
.LBB1_4:
0xe: {  	s16 =	sshll.u32 s13, $0x3;
	s17 =	sand.u32 $0x78, s13  }
0xf: {  	s30 =	sand.u32 $0xF800, s13;
	s12 =	sshll.u32 s12, $0x10;
	s16 =	sand.u32 $0x3C00, s16  }
0x10: {  	s31 =	sand.u32 $0x7, s13;
	s16 =	sor.u32 s17, s16;
	s17 =	sadd.s32 s3, s30  }
0x11: {  	s13 =	sshll.u32 s31, $0x12;
	s16 =	sshrl.u32 s16, $0x3;
	s12 =	sadd.s32 s12, s17  }
0x12: {  	[tilespmem:s15+$0x0 ss:$0x81] =	vst.msk $0xffff, v0;
	s13 =	sor.u32 $0x400, s13;
	s12 =	sadd.s32 s16, s12  }
0x13: {  	[hbm4b:s12+s13] =	stream.strided.scatter [tilespmem:s14], [sflag:$0x2], $0x1000, s8, s13, $0x20;
	[tilespmem:$0x4040] =	vst v63  }
.LBB1_5:
0x14: {  	s14 =	sadd.s32 $0x1, s9  }
0x15: {  	s12 =	sadd.s32 $0x1000, s10;
	s16 =	smov.u32 s10;
	p2 =	sgt.s32 s14, $0xC7  }
0x16: {  	s16 =	smov.u32 @p2 s12  }
0x17: {  	s14 =	simm.s32 @p2 $0x0;
	p2 =	sgt.s32 s16, $0x3FFF  }
0x18: {  	s16 =	smov.u32 @p2 s2;
	p2 =	sne.s32 s11, s7  }
.Ltmp1:
0x19: {  	p1 =	slt.u32 s11, $0x2;
	(pc) =	sbr.rel @!p2 .LBB1_6-.Ltmp1, $4  }
0x1a: {  	s15 =	simm.s32 @!p1 $0x2  }
0x1b: {  	s13 =	smov.u32 s10;
	p0 =	por !p0, !p0;
	_ =	swait.ge @!p1 [sflag:s15], $0x1000  }
0x1c: {  	s12 =	smov.u32 s9;
	[sflag:s15] =	ssyncset.done @!p1 $0x0;
	s9 =	smov.u32 s14  }
0x1d: {  	s11 =	sadd.s32 $0x1, s11;
	[sflag:s15] =	ssyncadd.s32 @!p1 $0xFFFFF000;
	s10 =	smov.u32 s16  }
.LBB1_1:
0x1e: {  	p1 =	sge.u32 s11, s5  }
0x1f: {  	s14 =	sand.u32 @!p1 $0x1FFFFFF, s9  }
0x20: {  	s15 =	smulhi.u32 @!p1 $0x147AE15, s14;
	_ =	sdelay $0x1  }
0x21: {  	s15 =	smul.u32 @!p1 $0xC8, s15  }
0x22: {  	s16 =	sxor.u32 @!p1 $0xFFFFFFFF, s11;
	s17 =	smul.u32 @!p1 $0xC80, s10  }
0x23: {  	s31 =	sadd.s32 $0xFFFFFFFF, s11;
	s16 =	sshll.u32 @!p1 s16, $0xC;
	s14 =	ssub.s32 @!p1 s14, s15  }
0x24: {  	s15 =	sand.u32 @!p1 $0x1000, s16;
	s16 =	sadd.s32 @!p1 s6, s17;
	s14 =	sshll.u32 @!p1 s14, $0x4  }
0x25: {  	s17 =	simm.s32 @!p1 $0x6400;
	s14 =	sadd.s32 @!p1 s14, s16;
	s16 =	simm.s32 @!p1 $0x20  }
0x26: {  	[tilespmem:s15], [sflag:$0x1] =	stream.strided.gather @!p1 [hbm4b:s14+s16], $0x1000, s17, s16, $0x38;
	[tilespmem:$0x4040] =	vst v63  }
0x27: {  	p1 =	sge.u32 s31, s5  }
.Ltmp2:
0x28: {  	_ = 	snop;
	(pc) =	sbr.rel @p1 .LBB1_5-.Ltmp2, $1  }
0x29: {  	_ =	sdelay $0x3  }
0x2a: {  	s14 =	simm.s32 $0x1  }
0x2b: {  	_ =	swait.ge [sflag:s4], $0x1000;
	s14 =	simm.s32 @!p0 $0x0  }
0x2c: {  	[sflag:s4] =	ssyncset.done $0x0;
	s15 =	sshll.u32 s14, $0xC  }
0x2d: {  	[sflag:s4] =	ssyncadd.s32 $0xFFFFF000;
	s18 =	sor.u32 $0x10, s15  }
0x2e: {  	s14 =	smul.u32 $0x4080, s14;
	v1 =	vld [tilespmem:s18+$0x0]  }
0x2f: {  	s30 =	sand.u32 $0x1, s11;
	v0 =	vld [tilespmem:s18+$0xFFFFFFF0]  }
0x30: {  	s15 =	smul.u32 $0x4080, s30;
	s14 =	sshrl.u32 s14, $0x2  }
0x31: {  	s16 =	sor.u32 $0x2000, s14  }
0x32: {  	s31 =	sshrl.u32 s15, $0x2;
	s15 =	sadd.s32 $0x0, s16  }
0x33: {  	s17 =	simm.s32 $0x4;
	s18 =	sadd.s32 $0x20, s18;
	s14 =	sor.u32 $0x2000, s31;
	[tilespmem:s15+$0x810 ss:$0x81] =	vst.msk $0xffff, v1  }
.LBB1_3:
0x34: {  	v1 =	vld [tilespmem:s18+$0x0];
	p1 =	sne.s32 s17, $0x1FC;
	[tilespmem:s15+$0x0 ss:$0x81] =	vst.msk $0xffff, v0;
	s15 =	smov.u32 s17;
	s17 =	sadd.s32 $0x4, s17  }
.Ltmp3:
0x35: {  	v0 =	vld [tilespmem:s18+$0xFFFFFFF0];
	(pc) =	sbr.rel @p1 .LBB1_3-.Ltmp3, $4  }
0x36: {  	_ = 	snop  }
0x37: {  	s15 =	sshra.s32 s15, $0x2  }
0x38: {  	s15 =	sadd.s32 s15, s16  }
0x39: {  	s18 =	sadd.s32 $0x20, s18;
	[tilespmem:s15+$0x810 ss:$0x81] =	vst.msk $0xffff, v1  }
.Ltmp4:
0x3a: {  	_ = 	snop;
	(pc) =	sbr.rel .LBB1_4-.Ltmp4, $1  }
0x3b: {  	_ =	sdelay $0x3  }
.LBB1_6:
0x3c: {  	_ =	sfence.sel $0x180000  }
0x3d: {  	s2 =	simm.s32 $0x1;
	[bflag:$0x0] =	sbarrier.arrive $0xFFFF  }
0x3e: {  	s31 =	simm.s32 $0x2;
	[sflag:s2] =	ssyncpa.u1 $0x1  }
0x3f: {  	[sflag:s31] =	ssyncpa.u1 $0x1  }
0x40: {  	p0 =	sne.s32 s0, $0x0;
	_ =	strace $0x9000004A  }
0x41: {  	s0 =	sadd.s32 @!p0 $0x100000, s1;
	[bflag:$0x2] =	sbarrier.arrive $0xFFFF  }
0x42: {  	[sflag:s0] =	ssyncadd.tile.s32 @!p0 $0x1;
	_ =	shalt  }
.Lfunc_end1:
_tile_overlayer_lowered:
.L_overlay_start_2:
0x43: {  	(tag) =	ssettag $0x2  }
0x44: {  	s0 =	rddreg [dreg:$0x0];
	s2 =	stileid.u32  }
0x45: {  	s1 =	rddreg [dreg:$0x1];
	p0 =	sne.s32 s2, $0x0  }
0x46: {  	s3 =	rddreg [dreg:$0x2];
	[bflag:$0x3] =	sbarrier.arrive $0xFFFF;
	s2 =	simm.s32 @!p0 $0x1C01  }
0x47: {  	[timem:s3], [sflag:s2] =	dma.local @!p0 [hbm:s0], s1  }
0x48: {  	s0 =	simm.s32 @!p0 $0x1  }
0x49: {  	_ =	swait.ge @!p0 [sflag:s0], s1  }
0x4a: {  	s1 =	ssub.s32 @!p0 $0x0, s1;
	[sflag:s0] =	ssyncset.done @!p0 $0x0  }
0x4b: {  	[sflag:s0] =	ssyncadd.s32 @!p0 s1  }
0x4c: {  	[bflag:$0x3] =	sbarrier.arrive $0xFFFF  }
0x4d: {  	_ =	shalt  }

</sc_bundles>
